<compile_context>
chip_gen: v7x
topology: tpu7x:2x2x1
jax: 0.10.2.dev20260603
libtpu: 0.0.44.dev20260713+nightly
codegen_flags: <defaults>
</compile_context>

<pallas_src>
import functools

import jax
import jax.numpy as jnp
from jax import lax
from jax.experimental import pallas as pl
from jax.experimental.pallas import tpu as pltpu
from jax.experimental.pallas import tpu_sc as plsc

_CHUNK = 128
_L = 16


def kernel(projection, cam_idx):
    n, r, c = projection.shape
    batch = cam_idx.shape[1]
    planes = r * c
    nmain = (n // _CHUNK) * _CHUNK
    ntail = n - nmain
    pv = nmain // _L
    info = plsc.get_sparse_core_info()
    nw = info.num_cores * info.num_subcores
    bpw = batch // nw
    nbt = bpw // _CHUNK
    ng = bpw * planes
    nchunk = ng // _CHUNK
    mesh = plsc.VectorSubcoreMesh(core_axis_name="c", subcore_axis_name="s")

    @functools.partial(
        pl.kernel,
        out_type=jax.ShapeDtypeStruct((r, batch // _CHUNK, c, _CHUNK),
                                      jnp.float32),
        mesh=mesh,
        scratch_types=[
            pltpu.VMEM((bpw,), jnp.int32),
            pltpu.VMEM((bpw,), jnp.int32),
            pltpu.VMEM((ng,), jnp.int32),
            pltpu.VMEM((ng, _L), jnp.float32),
            pltpu.VMEM((r, nbt, c, _CHUNK), jnp.float32),
            pltpu.VMEM((max(planes * ntail, _L),), jnp.float32),
            pltpu.SemaphoreType.DMA,
        ],
        compiler_params=pltpu.CompilerParams(
            use_tc_tiling_on_sc=False, needs_layout_passes=False),
    )
    def k(tab_hbm, *rest):
        if ntail:
            tail_hbm, idx_hbm, out_hbm, \
                idx_v, offs_v, gidx_v, rows_v, out_v, tail_v, sem = rest
        else:
            idx_hbm, out_hbm, \
                idx_v, offs_v, gidx_v, rows_v, out_v, tail_v, sem = rest
        wid = lax.axis_index("s") * info.num_cores + lax.axis_index("c")
        base = wid * bpw
        pltpu.sync_copy(idx_hbm.at[pl.ds(base, bpw)], idx_v)
        if ntail:
            pltpu.sync_copy(tail_hbm, tail_v.at[pl.ds(0, planes * ntail)])

        def prep(rr, carry):
            v = idx_v[pl.ds(rr * _L, _L)]
            offs_v[pl.ds(rr * _L, _L)] = v & (_L - 1)
            g0 = v >> 4
            if ntail:
                g0 = jnp.where(v >= nmain, 0, g0)
            for kk in range(planes):
                gidx_v[pl.ds(kk * bpw + rr * _L, _L)] = g0 + kk * pv
            return carry

        lax.fori_loop(0, bpw // _L, prep, jnp.int32(0))

        copies = [
            pltpu.async_copy(
                tab_hbm.at[gidx_v.at[pl.ds(cc * _CHUNK, _CHUNK)]],
                rows_v.at[pl.ds(cc * _CHUNK, _CHUNK)],
                sem,
            )
            for cc in range(nchunk)
        ]
        for cp in copies:
            cp.wait()

        lane = lax.iota(jnp.int32, _L)

        def select(u0, carry):
            bt = u0 >> 3
            wq = u0 & 7
            offv = offs_v[pl.ds(u0 * _L, _L)]
            rowbase = u0 * _L + lane
            if ntail:
                m = idx_v[pl.ds(u0 * _L, _L)]
                tmask = m >= nmain
                ct = jnp.where(tmask, m - nmain, 0)
            for rr in range(r):
                for cc in range(c):
                    kk = rr * c + cc
                    vals = plsc.load_gather(rows_v, [kk * bpw + rowbase, offv])
                    if ntail:
                        tvals = plsc.load_gather(tail_v, [kk * ntail + ct])
                        vals = jnp.where(tmask, tvals, vals)
                    out_v[rr, bt, cc, pl.ds(wq * _L, _L)] = vals
            return carry

        lax.fori_loop(0, bpw // _L, select, jnp.int32(0))

        bt0 = wid * nbt
        for rr in range(r):
            pltpu.sync_copy(out_v.at[rr], out_hbm.at[rr, pl.ds(bt0, nbt)])

    tab = projection.transpose(1, 2, 0)[:, :, :nmain].reshape(planes * pv, _L)
    if ntail:
        tail = jnp.take(projection, nmain + lax.iota(jnp.int32, ntail),
                        axis=0).transpose(1, 2, 0).reshape(planes * ntail)
        out4 = k(tab, tail, cam_idx[1])
    else:
        out4 = k(tab, cam_idx[1])
    return out4.transpose(1, 3, 0, 2).reshape(batch, r, c)

# --- scband reference (transcript-rebuilt; emitter-appended) ---
"""Pipeline reference for scband-rig-projection-table-68221260529744 (READ-ONLY COPY).

The authoritative reference and input builder live on the scoring server;
editing this copy changes nothing except your own understanding.
"""

import jax, jax.numpy as jnp
import numpy as np

NUM_RIGS = 1000000
BATCH = 16384


def setup_inputs(seed: int = 0) -> dict:
    key = jax.random.key(seed)
    k1, k2 = jax.random.split(key)
    projection = jax.random.normal(k1, (NUM_RIGS, 3, 4), dtype=jnp.float32)
    cam_idx = jax.random.randint(k2, (2, BATCH), 0, NUM_RIGS, dtype=jnp.int32)
    return {"projection": projection, "cam_idx": cam_idx}


def reference(projection, cam_idx):
    # Faithful translation of RigProjectionTable.forward:
    #   return self.projection[cam_idx[1]]
    # gather on row dim -> SparseCore-friendly jnp.take
    return jnp.take(projection, cam_idx[1], axis=0)

if __name__ == "__main__":
    import jax
    _d = setup_inputs()
    print(jax.jit(kernel)(*tuple(_d.values())))

</pallas_src>

<mosaic_0001>
#map = affine_map<(d0, d1) -> (0, 0)>
#map1 = affine_map<(d0, d1) -> (0)>
#map2 = affine_map<(d0, d1) -> (0, 0, 0, 0)>
module attributes {stable_mosaic.version = 14 : i64} {
  func.func @k(%arg0: i32, %arg1: i32, %arg2: memref<749952x16xf32, #tpu.memory_space<hbm>>, %arg3: memref<768xf32, #tpu.memory_space<hbm>>, %arg4: memref<16384xi32, #tpu.memory_space<hbm>>, %arg5: memref<3x128x4x128xf32, #tpu.memory_space<hbm>>, %arg6: memref<512xi32, #tpu.memory_space<vmem>>, %arg7: memref<512xi32, #tpu.memory_space<vmem>>, %arg8: memref<6144xi32, #tpu.memory_space<vmem>>, %arg9: memref<6144x16xf32, #tpu.memory_space<vmem>>, %arg10: memref<3x4x4x128xf32, #tpu.memory_space<vmem>>, %arg11: memref<768xf32, #tpu.memory_space<vmem>>, %arg12: memref<!tpu.dma_semaphore, #tpu.memory_space<semaphore_mem>>) attributes {dimension_semantics = [#tpu.dimension_semantics<core_parallel>, #tpu.dimension_semantics<subcore_parallel>], iteration_bounds = array<i64: 2, 16>, scalar_prefetch = 0 : i64, scratch_operands = 7 : i64, tpu.core_type = #tpu.core_type<sc_vector_subcore>, window_params = [{transform_indices = #map}, {transform_indices = #map1}, {transform_indices = #map1}, {transform_indices = #map2}]} {
    %mul3A = arith.constant 2 : i32
    %mul3A_0 = arith.muli %arg1, %mul3A : i32
    %add3A = arith.addi %mul3A_0, %arg0 : i32
    %mul3A_1 = arith.constant 512 : i32
    %mul3A_2 = arith.muli %add3A, %mul3A_1 : i32
    "tpu.region"() ({
      %run_scoped3A_787 = tpu.sem_alloc : memref<!tpu.dma_semaphore, #tpu.memory_space<semaphore_mem>>
      %dma_start3A_788 = tpu.memref_slice %arg4[%mul3A_2] : memref<16384xi32, #tpu.memory_space<hbm>> -> memref<512xi32, #tpu.memory_space<hbm>>
      %dma_start3A_789 = tpu.memref_slice %arg4[%mul3A_2] : memref<16384xi32, #tpu.memory_space<hbm>> -> memref<512xi32, #tpu.memory_space<hbm>>
      tpu.enqueue_dma source(%dma_start3A_789 : memref<512xi32, #tpu.memory_space<hbm>>) target(%arg6 : memref<512xi32, #tpu.memory_space<vmem>>) target_semaphore(%run_scoped3A_787 : memref<!tpu.dma_semaphore, #tpu.memory_space<semaphore_mem>>)
      %dma_wait3A_790 = tpu.memref_slice %arg4[%mul3A_2] : memref<16384xi32, #tpu.memory_space<hbm>> -> memref<512xi32, #tpu.memory_space<hbm>>
      %dma_wait3A_791 = tpu.memref_slice %arg4[%mul3A_2] : memref<16384xi32, #tpu.memory_space<hbm>> -> memref<512xi32, #tpu.memory_space<hbm>>
      tpu.wait_dma2 semaphore(%run_scoped3A_787 : memref<!tpu.dma_semaphore, #tpu.memory_space<semaphore_mem>>) src(%dma_wait3A_791 : memref<512xi32, #tpu.memory_space<hbm>>) dst(%arg6 : memref<512xi32, #tpu.memory_space<vmem>>)
      tpu.yield
    }) : () -> ()
    "tpu.region"() ({
      %run_scoped3A_787 = tpu.sem_alloc : memref<!tpu.dma_semaphore, #tpu.memory_space<semaphore_mem>>
      %dma_start3A_788 = arith.constant 0 : i32
      %dma_start3A_789 = tpu.memref_slice %arg11[%dma_start3A_788] : memref<768xf32, #tpu.memory_space<vmem>> -> memref<768xf32, #tpu.memory_space<vmem>>
      %dma_start3A_790 = arith.constant 0 : i32
      %dma_start3A_791 = tpu.memref_slice %arg11[%dma_start3A_790] : memref<768xf32, #tpu.memory_space<vmem>> -> memref<768xf32, #tpu.memory_space<vmem>>
      tpu.enqueue_dma source(%arg3 : memref<768xf32, #tpu.memory_space<hbm>>) target(%dma_start3A_791 : memref<768xf32, #tpu.memory_space<vmem>>) target_semaphore(%run_scoped3A_787 : memref<!tpu.dma_semaphore, #tpu.memory_space<semaphore_mem>>)
      %dma_wait3A_792 = arith.constant 0 : i32
      %dma_wait3A_793 = tpu.memref_slice %arg11[%dma_wait3A_792] : memref<768xf32, #tpu.memory_space<vmem>> -> memref<768xf32, #tpu.memory_space<vmem>>
      %dma_wait3A_794 = arith.constant 0 : i32
      %dma_wait3A_795 = tpu.memref_slice %arg11[%dma_wait3A_794] : memref<768xf32, #tpu.memory_space<vmem>> -> memref<768xf32, #tpu.memory_space<vmem>>
      tpu.wait_dma2 semaphore(%run_scoped3A_787 : memref<!tpu.dma_semaphore, #tpu.memory_space<semaphore_mem>>) src(%arg3 : memref<768xf32, #tpu.memory_space<hbm>>) dst(%dma_wait3A_795 : memref<768xf32, #tpu.memory_space<vmem>>)
      tpu.yield
    }) : () -> ()
    %scan3A = arith.constant 0 : i32
    %scan3A_3 = arith.constant 0 : i32
    %scan3A_4 = arith.constant 32 : i32
    %scan3A_5 = arith.addi %scan3A_3, %scan3A_4 : i32
    %scan3A_6 = arith.constant 1 : i32
    scf.for %scan3A_787 = %scan3A_3 to %scan3A_5 step %scan3A_6  : i32 {
      %mul3A_788 = arith.constant 16 : i32
      %mul3A_789 = arith.muli %scan3A_787, %mul3A_788 : i32
      %get3A = arith.index_cast %mul3A_789 : i32 to index
      %get3A_790 = tpu.vector_load %arg6[%get3A] {strides = array<i32>} : memref<512xi32, #tpu.memory_space<vmem>>, vector<16xi32>,
      %and3A = arith.constant 15 : i32
      %and3A_791 = vector.broadcast %and3A : i32 to vector<16xi32>
      %and3A_792 = arith.andi %get3A_790, %and3A_791 : vector<16xi32>
      %mul3A_793 = arith.constant 16 : i32
      %mul3A_794 = arith.muli %scan3A_787, %mul3A_793 : i32
      %swap3A = arith.index_cast %mul3A_794 : i32 to index
      %swap3A_795 = tpu.vector_load %arg7[%swap3A] {strides = array<i32>} : memref<512xi32, #tpu.memory_space<vmem>>, vector<16xi32>,
      tpu.vector_store %arg7[%swap3A], %and3A_792 {strides = array<i32>} : memref<512xi32, #tpu.memory_space<vmem>>, vector<16xi32>,
      %shift_right_arithmetic3A = arith.constant 4 : i32
      %shift_right_arithmetic3A_796 = vector.broadcast %shift_right_arithmetic3A : i32 to vector<16xi32>
      %shift_right_arithmetic3A_797 = arith.shrsi %get3A_790, %shift_right_arithmetic3A_796 : vector<16xi32>
      %ge3A = arith.constant 999936 : i32
      %ge3A_798 = vector.broadcast %ge3A : i32 to vector<16xi32>
      %ge3A_799 = arith.cmpi sge, %get3A_790, %ge3A_798 : vector<16xi32>
      %jit3A = arith.constant 0 : i32
      %broadcast_in_dim3A = vector.broadcast %jit3A : i32 to vector<16xi32>
      %select_n3A = arith.select %ge3A_799, %broadcast_in_dim3A, %shift_right_arithmetic3A_797 : vector<16xi1>, vector<16xi32>
      %add3A_800 = arith.constant 0 : i32
      %add3A_801 = vector.broadcast %add3A_800 : i32 to vector<16xi32>
      %add3A_802 = arith.addi %select_n3A, %add3A_801 : vector<16xi32>
      %mul3A_803 = arith.constant 16 : i32
      %mul3A_804 = arith.muli %scan3A_787, %mul3A_803 : i32
      %add3A_805 = arith.constant 0 : i32
      %add3A_806 = arith.addi %add3A_805, %mul3A_804 : i32
      %swap3A_807 = arith.index_cast %add3A_806 : i32 to index
      %swap3A_808 = tpu.vector_load %arg8[%swap3A_807] {strides = array<i32>} : memref<6144xi32, #tpu.memory_space<vmem>>, vector<16xi32>,
      tpu.vector_store %arg8[%swap3A_807], %add3A_802 {strides = array<i32>} : memref<6144xi32, #tpu.memory_space<vmem>>, vector<16xi32>,
      %add3A_809 = arith.constant 62496 : i32
      %add3A_810 = vector.broadcast %add3A_809 : i32 to vector<16xi32>
      %add3A_811 = arith.addi %select_n3A, %add3A_810 : vector<16xi32>
      %mul3A_812 = arith.constant 16 : i32
      %mul3A_813 = arith.muli %scan3A_787, %mul3A_812 : i32
      %add3A_814 = arith.constant 512 : i32
      %add3A_815 = arith.addi %add3A_814, %mul3A_813 : i32
      %swap3A_816 = arith.index_cast %add3A_815 : i32 to index
      %swap3A_817 = tpu.vector_load %arg8[%swap3A_816] {strides = array<i32>} : memref<6144xi32, #tpu.memory_space<vmem>>, vector<16xi32>,
      tpu.vector_store %arg8[%swap3A_816], %add3A_811 {strides = array<i32>} : memref<6144xi32, #tpu.memory_space<vmem>>, vector<16xi32>,
      %add3A_818 = arith.constant 124992 : i32
      %add3A_819 = vector.broadcast %add3A_818 : i32 to vector<16xi32>
      %add3A_820 = arith.addi %select_n3A, %add3A_819 : vector<16xi32>
      %mul3A_821 = arith.constant 16 : i32
      %mul3A_822 = arith.muli %scan3A_787, %mul3A_821 : i32
      %add3A_823 = arith.constant 1024 : i32
      %add3A_824 = arith.addi %add3A_823, %mul3A_822 : i32
      %swap3A_825 = arith.index_cast %add3A_824 : i32 to index
      %swap3A_826 = tpu.vector_load %arg8[%swap3A_825] {strides = array<i32>} : memref<6144xi32, #tpu.memory_space<vmem>>, vector<16xi32>,
      tpu.vector_store %arg8[%swap3A_825], %add3A_820 {strides = array<i32>} : memref<6144xi32, #tpu.memory_space<vmem>>, vector<16xi32>,
      %add3A_827 = arith.constant 187488 : i32
      %add3A_828 = vector.broadcast %add3A_827 : i32 to vector<16xi32>
      %add3A_829 = arith.addi %select_n3A, %add3A_828 : vector<16xi32>
      %mul3A_830 = arith.constant 16 : i32
      %mul3A_831 = arith.muli %scan3A_787, %mul3A_830 : i32
      %add3A_832 = arith.constant 1536 : i32
      %add3A_833 = arith.addi %add3A_832, %mul3A_831 : i32
      %swap3A_834 = arith.index_cast %add3A_833 : i32 to index
      %swap3A_835 = tpu.vector_load %arg8[%swap3A_834] {strides = array<i32>} : memref<6144xi32, #tpu.memory_space<vmem>>, vector<16xi32>,
      tpu.vector_store %arg8[%swap3A_834], %add3A_829 {strides = array<i32>} : memref<6144xi32, #tpu.memory_space<vmem>>, vector<16xi32>,
      %add3A_836 = arith.constant 249984 : i32
      %add3A_837 = vector.broadcast %add3A_836 : i32 to vector<16xi32>
      %add3A_838 = arith.addi %select_n3A, %add3A_837 : vector<16xi32>
      %mul3A_839 = arith.constant 16 : i32
      %mul3A_840 = arith.muli %scan3A_787, %mul3A_839 : i32
      %add3A_841 = arith.constant 2048 : i32
      %add3A_842 = arith.addi %add3A_841, %mul3A_840 : i32
      %swap3A_843 = arith.index_cast %add3A_842 : i32 to index
      %swap3A_844 = tpu.vector_load %arg8[%swap3A_843] {strides = array<i32>} : memref<6144xi32, #tpu.memory_space<vmem>>, vector<16xi32>,
      tpu.vector_store %arg8[%swap3A_843], %add3A_838 {strides = array<i32>} : memref<6144xi32, #tpu.memory_space<vmem>>, vector<16xi32>,
      %add3A_845 = arith.constant 312480 : i32
      %add3A_846 = vector.broadcast %add3A_845 : i32 to vector<16xi32>
      %add3A_847 = arith.addi %select_n3A, %add3A_846 : vector<16xi32>
      %mul3A_848 = arith.constant 16 : i32
      %mul3A_849 = arith.muli %scan3A_787, %mul3A_848 : i32
      %add3A_850 = arith.constant 2560 : i32
      %add3A_851 = arith.addi %add3A_850, %mul3A_849 : i32
      %swap3A_852 = arith.index_cast %add3A_851 : i32 to index
      %swap3A_853 = tpu.vector_load %arg8[%swap3A_852] {strides = array<i32>} : memref<6144xi32, #tpu.memory_space<vmem>>, vector<16xi32>,
      tpu.vector_store %arg8[%swap3A_852], %add3A_847 {strides = array<i32>} : memref<6144xi32, #tpu.memory_space<vmem>>, vector<16xi32>,
      %add3A_854 = arith.constant 374976 : i32
      %add3A_855 = vector.broadcast %add3A_854 : i32 to vector<16xi32>
      %add3A_856 = arith.addi %select_n3A, %add3A_855 : vector<16xi32>
      %mul3A_857 = arith.constant 16 : i32
      %mul3A_858 = arith.muli %scan3A_787, %mul3A_857 : i32
      %add3A_859 = arith.constant 3072 : i32
      %add3A_860 = arith.addi %add3A_859, %mul3A_858 : i32
      %swap3A_861 = arith.index_cast %add3A_860 : i32 to index
      %swap3A_862 = tpu.vector_load %arg8[%swap3A_861] {strides = array<i32>} : memref<6144xi32, #tpu.memory_space<vmem>>, vector<16xi32>,
      tpu.vector_store %arg8[%swap3A_861], %add3A_856 {strides = array<i32>} : memref<6144xi32, #tpu.memory_space<vmem>>, vector<16xi32>,
      %add3A_863 = arith.constant 437472 : i32
      %add3A_864 = vector.broadcast %add3A_863 : i32 to vector<16xi32>
      %add3A_865 = arith.addi %select_n3A, %add3A_864 : vector<16xi32>
      %mul3A_866 = arith.constant 16 : i32
      %mul3A_867 = arith.muli %scan3A_787, %mul3A_866 : i32
      %add3A_868 = arith.constant 3584 : i32
      %add3A_869 = arith.addi %add3A_868, %mul3A_867 : i32
      %swap3A_870 = arith.index_cast %add3A_869 : i32 to index
      %swap3A_871 = tpu.vector_load %arg8[%swap3A_870] {strides = array<i32>} : memref<6144xi32, #tpu.memory_space<vmem>>, vector<16xi32>,
      tpu.vector_store %arg8[%swap3A_870], %add3A_865 {strides = array<i32>} : memref<6144xi32, #tpu.memory_space<vmem>>, vector<16xi32>,
      %add3A_872 = arith.constant 499968 : i32
      %add3A_873 = vector.broadcast %add3A_872 : i32 to vector<16xi32>
      %add3A_874 = arith.addi %select_n3A, %add3A_873 : vector<16xi32>
      %mul3A_875 = arith.constant 16 : i32
      %mul3A_876 = arith.muli %scan3A_787, %mul3A_875 : i32
      %add3A_877 = arith.constant 4096 : i32
      %add3A_878 = arith.addi %add3A_877, %mul3A_876 : i32
      %swap3A_879 = arith.index_cast %add3A_878 : i32 to index
      %swap3A_880 = tpu.vector_load %arg8[%swap3A_879] {strides = array<i32>} : memref<6144xi32, #tpu.memory_space<vmem>>, vector<16xi32>,
      tpu.vector_store %arg8[%swap3A_879], %add3A_874 {strides = array<i32>} : memref<6144xi32, #tpu.memory_space<vmem>>, vector<16xi32>,
      %add3A_881 = arith.constant 562464 : i32
      %add3A_882 = vector.broadcast %add3A_881 : i32 to vector<16xi32>
      %add3A_883 = arith.addi %select_n3A, %add3A_882 : vector<16xi32>
      %mul3A_884 = arith.constant 16 : i32
      %mul3A_885 = arith.muli %scan3A_787, %mul3A_884 : i32
      %add3A_886 = arith.constant 4608 : i32
      %add3A_887 = arith.addi %add3A_886, %mul3A_885 : i32
      %swap3A_888 = arith.index_cast %add3A_887 : i32 to index
      %swap3A_889 = tpu.vector_load %arg8[%swap3A_888] {strides = array<i32>} : memref<6144xi32, #tpu.memory_space<vmem>>, vector<16xi32>,
      tpu.vector_store %arg8[%swap3A_888], %add3A_883 {strides = array<i32>} : memref<6144xi32, #tpu.memory_space<vmem>>, vector<16xi32>,
      %add3A_890 = arith.constant 624960 : i32
      %add3A_891 = vector.broadcast %add3A_890 : i32 to vector<16xi32>
      %add3A_892 = arith.addi %select_n3A, %add3A_891 : vector<16xi32>
      %mul3A_893 = arith.constant 16 : i32
      %mul3A_894 = arith.muli %scan3A_787, %mul3A_893 : i32
      %add3A_895 = arith.constant 5120 : i32
      %add3A_896 = arith.addi %add3A_895, %mul3A_894 : i32
      %swap3A_897 = arith.index_cast %add3A_896 : i32 to index
      %swap3A_898 = tpu.vector_load %arg8[%swap3A_897] {strides = array<i32>} : memref<6144xi32, #tpu.memory_space<vmem>>, vector<16xi32>,
      tpu.vector_store %arg8[%swap3A_897], %add3A_892 {strides = array<i32>} : memref<6144xi32, #tpu.memory_space<vmem>>, vector<16xi32>,
      %add3A_899 = arith.constant 687456 : i32
      %add3A_900 = vector.broadcast %add3A_899 : i32 to vector<16xi32>
      %add3A_901 = arith.addi %select_n3A, %add3A_900 : vector<16xi32>
      %mul3A_902 = arith.constant 16 : i32
      %mul3A_903 = arith.muli %scan3A_787, %mul3A_902 : i32
      %add3A_904 = arith.constant 5632 : i32
      %add3A_905 = arith.addi %add3A_904, %mul3A_903 : i32
      %swap3A_906 = arith.index_cast %add3A_905 : i32 to index
      %swap3A_907 = tpu.vector_load %arg8[%swap3A_906] {strides = array<i32>} : memref<6144xi32, #tpu.memory_space<vmem>>, vector<16xi32>,
      tpu.vector_store %arg8[%swap3A_906], %add3A_901 {strides = array<i32>} : memref<6144xi32, #tpu.memory_space<vmem>>, vector<16xi32>,
    }
    %scan3A_7 = arith.constant 32 : i32
    %dma_start3A = arith.constant 0 : i32
    %dma_start3A_8 = arith.constant 0 : i32
    %dma_start3A_9 = tpu.memref_slice %arg9[%dma_start3A, %dma_start3A_8] : memref<6144x16xf32, #tpu.memory_space<vmem>> -> memref<128x16xf32, #tpu.memory_space<vmem>>
    %dma_start3A_10 = arith.constant 0 : i32
    %dma_start3A_11 = tpu.memref_slice %arg8[%dma_start3A_10] : memref<6144xi32, #tpu.memory_space<vmem>> -> memref<128xi32, #tpu.memory_space<vmem>>
    %dma_start3A_12 = arith.constant 0 : i32
    %dma_start3A_13 = arith.constant 0 : i32
    %dma_start3A_14 = tpu.memref_slice %arg2[%dma_start3A_12, %dma_start3A_13] : memref<749952x16xf32, #tpu.memory_space<hbm>> -> memref<749952x16xf32, #tpu.memory_space<hbm>>
    tpu.enqueue_indirect_dma source(%dma_start3A_14 : memref<749952x16xf32, #tpu.memory_space<hbm>>) target(%dma_start3A_9 : memref<128x16xf32, #tpu.memory_space<vmem>>) offsets(%dma_start3A_11 : memref<128xi32, #tpu.memory_space<vmem>>) semaphore(%arg12 : memref<!tpu.dma_semaphore, #tpu.memory_space<semaphore_mem>>)
    %dma_start3A_15 = arith.constant 128 : i32
    %dma_start3A_16 = arith.constant 0 : i32
    %dma_start3A_17 = tpu.memref_slice %arg9[%dma_start3A_15, %dma_start3A_16] : memref<6144x16xf32, #tpu.memory_space<vmem>> -> memref<128x16xf32, #tpu.memory_space<vmem>>
    %dma_start3A_18 = arith.constant 128 : i32
    %dma_start3A_19 = tpu.memref_slice %arg8[%dma_start3A_18] : memref<6144xi32, #tpu.memory_space<vmem>> -> memref<128xi32, #tpu.memory_space<vmem>>
    %dma_start3A_20 = arith.constant 0 : i32
    %dma_start3A_21 = arith.constant 0 : i32
    %dma_start3A_22 = tpu.memref_slice %arg2[%dma_start3A_20, %dma_start3A_21] : memref<749952x16xf32, #tpu.memory_space<hbm>> -> memref<749952x16xf32, #tpu.memory_space<hbm>>
    tpu.enqueue_indirect_dma source(%dma_start3A_22 : memref<749952x16xf32, #tpu.memory_space<hbm>>) target(%dma_start3A_17 : memref<128x16xf32, #tpu.memory_space<vmem>>) offsets(%dma_start3A_19 : memref<128xi32, #tpu.memory_space<vmem>>) semaphore(%arg12 : memref<!tpu.dma_semaphore, #tpu.memory_space<semaphore_mem>>)
    %dma_start3A_23 = arith.constant 256 : i32
    %dma_start3A_24 = arith.constant 0 : i32
    %dma_start3A_25 = tpu.memref_slice %arg9[%dma_start3A_23, %dma_start3A_24] : memref<6144x16xf32, #tpu.memory_space<vmem>> -> memref<128x16xf32, #tpu.memory_space<vmem>>
    %dma_start3A_26 = arith.constant 256 : i32
    %dma_start3A_27 = tpu.memref_slice %arg8[%dma_start3A_26] : memref<6144xi32, #tpu.memory_space<vmem>> -> memref<128xi32, #tpu.memory_space<vmem>>
    %dma_start3A_28 = arith.constant 0 : i32
    %dma_start3A_29 = arith.constant 0 : i32
    %dma_start3A_30 = tpu.memref_slice %arg2[%dma_start3A_28, %dma_start3A_29] : memref<749952x16xf32, #tpu.memory_space<hbm>> -> memref<749952x16xf32, #tpu.memory_space<hbm>>
    tpu.enqueue_indirect_dma source(%dma_start3A_30 : memref<749952x16xf32, #tpu.memory_space<hbm>>) target(%dma_start3A_25 : memref<128x16xf32, #tpu.memory_space<vmem>>) offsets(%dma_start3A_27 : memref<128xi32, #tpu.memory_space<vmem>>) semaphore(%arg12 : memref<!tpu.dma_semaphore, #tpu.memory_space<semaphore_mem>>)
    %dma_start3A_31 = arith.constant 384 : i32
    %dma_start3A_32 = arith.constant 0 : i32
    %dma_start3A_33 = tpu.memref_slice %arg9[%dma_start3A_31, %dma_start3A_32] : memref<6144x16xf32, #tpu.memory_space<vmem>> -> memref<128x16xf32, #tpu.memory_space<vmem>>
    %dma_start3A_34 = arith.constant 384 : i32
    %dma_start3A_35 = tpu.memref_slice %arg8[%dma_start3A_34] : memref<6144xi32, #tpu.memory_space<vmem>> -> memref<128xi32, #tpu.memory_space<vmem>>
    %dma_start3A_36 = arith.constant 0 : i32
    %dma_start3A_37 = arith.constant 0 : i32
    %dma_start3A_38 = tpu.memref_slice %arg2[%dma_start3A_36, %dma_start3A_37] : memref<749952x16xf32, #tpu.memory_space<hbm>> -> memref<749952x16xf32, #tpu.memory_space<hbm>>
    tpu.enqueue_indirect_dma source(%dma_start3A_38 : memref<749952x16xf32, #tpu.memory_space<hbm>>) target(%dma_start3A_33 : memref<128x16xf32, #tpu.memory_space<vmem>>) offsets(%dma_start3A_35 : memref<128xi32, #tpu.memory_space<vmem>>) semaphore(%arg12 : memref<!tpu.dma_semaphore, #tpu.memory_space<semaphore_mem>>)
    %dma_start3A_39 = arith.constant 512 : i32
    %dma_start3A_40 = arith.constant 0 : i32
    %dma_start3A_41 = tpu.memref_slice %arg9[%dma_start3A_39, %dma_start3A_40] : memref<6144x16xf32, #tpu.memory_space<vmem>> -> memref<128x16xf32, #tpu.memory_space<vmem>>
    %dma_start3A_42 = arith.constant 512 : i32
    %dma_start3A_43 = tpu.memref_slice %arg8[%dma_start3A_42] : memref<6144xi32, #tpu.memory_space<vmem>> -> memref<128xi32, #tpu.memory_space<vmem>>
    %dma_start3A_44 = arith.constant 0 : i32
    %dma_start3A_45 = arith.constant 0 : i32
    %dma_start3A_46 = tpu.memref_slice %arg2[%dma_start3A_44, %dma_start3A_45] : memref<749952x16xf32, #tpu.memory_space<hbm>> -> memref<749952x16xf32, #tpu.memory_space<hbm>>
    tpu.enqueue_indirect_dma source(%dma_start3A_46 : memref<749952x16xf32, #tpu.memory_space<hbm>>) target(%dma_start3A_41 : memref<128x16xf32, #tpu.memory_space<vmem>>) offsets(%dma_start3A_43 : memref<128xi32, #tpu.memory_space<vmem>>) semaphore(%arg12 : memref<!tpu.dma_semaphore, #tpu.memory_space<semaphore_mem>>)
    %dma_start3A_47 = arith.constant 640 : i32
    %dma_start3A_48 = arith.constant 0 : i32
    %dma_start3A_49 = tpu.memref_slice %arg9[%dma_start3A_47, %dma_start3A_48] : memref<6144x16xf32, #tpu.memory_space<vmem>> -> memref<128x16xf32, #tpu.memory_space<vmem>>
    %dma_start3A_50 = arith.constant 640 : i32
    %dma_start3A_51 = tpu.memref_slice %arg8[%dma_start3A_50] : memref<6144xi32, #tpu.memory_space<vmem>> -> memref<128xi32, #tpu.memory_space<vmem>>
    %dma_start3A_52 = arith.constant 0 : i32
    %dma_start3A_53 = arith.constant 0 : i32
    %dma_start3A_54 = tpu.memref_slice %arg2[%dma_start3A_52, %dma_start3A_53] : memref<749952x16xf32, #tpu.memory_space<hbm>> -> memref<749952x16xf32, #tpu.memory_space<hbm>>
    tpu.enqueue_indirect_dma source(%dma_start3A_54 : memref<749952x16xf32, #tpu.memory_space<hbm>>) target(%dma_start3A_49 : memref<128x16xf32, #tpu.memory_space<vmem>>) offsets(%dma_start3A_51 : memref<128xi32, #tpu.memory_space<vmem>>) semaphore(%arg12 : memref<!tpu.dma_semaphore, #tpu.memory_space<semaphore_mem>>)
    %dma_start3A_55 = arith.constant 768 : i32
    %dma_start3A_56 = arith.constant 0 : i32
    %dma_start3A_57 = tpu.memref_slice %arg9[%dma_start3A_55, %dma_start3A_56] : memref<6144x16xf32, #tpu.memory_space<vmem>> -> memref<128x16xf32, #tpu.memory_space<vmem>>
    %dma_start3A_58 = arith.constant 768 : i32
    %dma_start3A_59 = tpu.memref_slice %arg8[%dma_start3A_58] : memref<6144xi32, #tpu.memory_space<vmem>> -> memref<128xi32, #tpu.memory_space<vmem>>
    %dma_start3A_60 = arith.constant 0 : i32
    %dma_start3A_61 = arith.constant 0 : i32
    %dma_start3A_62 = tpu.memref_slice %arg2[%dma_start3A_60, %dma_start3A_61] : memref<749952x16xf32, #tpu.memory_space<hbm>> -> memref<749952x16xf32, #tpu.memory_space<hbm>>
    tpu.enqueue_indirect_dma source(%dma_start3A_62 : memref<749952x16xf32, #tpu.memory_space<hbm>>) target(%dma_start3A_57 : memref<128x16xf32, #tpu.memory_space<vmem>>) offsets(%dma_start3A_59 : memref<128xi32, #tpu.memory_space<vmem>>) semaphore(%arg12 : memref<!tpu.dma_semaphore, #tpu.memory_space<semaphore_mem>>)
    %dma_start3A_63 = arith.constant 896 : i32
    %dma_start3A_64 = arith.constant 0 : i32
    %dma_start3A_65 = tpu.memref_slice %arg9[%dma_start3A_63, %dma_start3A_64] : memref<6144x16xf32, #tpu.memory_space<vmem>> -> memref<128x16xf32, #tpu.memory_space<vmem>>
    %dma_start3A_66 = arith.constant 896 : i32
    %dma_start3A_67 = tpu.memref_slice %arg8[%dma_start3A_66] : memref<6144xi32, #tpu.memory_space<vmem>> -> memref<128xi32, #tpu.memory_space<vmem>>
    %dma_start3A_68 = arith.constant 0 : i32
    %dma_start3A_69 = arith.constant 0 : i32
    %dma_start3A_70 = tpu.memref_slice %arg2[%dma_start3A_68, %dma_start3A_69] : memref<749952x16xf32, #tpu.memory_space<hbm>> -> memref<749952x16xf32, #tpu.memory_space<hbm>>
    tpu.enqueue_indirect_dma source(%dma_start3A_70 : memref<749952x16xf32, #tpu.memory_space<hbm>>) target(%dma_start3A_65 : memref<128x16xf32, #tpu.memory_space<vmem>>) offsets(%dma_start3A_67 : memref<128xi32, #tpu.memory_space<vmem>>) semaphore(%arg12 : memref<!tpu.dma_semaphore, #tpu.memory_space<semaphore_mem>>)
    %dma_start3A_71 = arith.constant 1024 : i32
    %dma_start3A_72 = arith.constant 0 : i32
    %dma_start3A_73 = tpu.memref_slice %arg9[%dma_start3A_71, %dma_start3A_72] : memref<6144x16xf32, #tpu.memory_space<vmem>> -> memref<128x16xf32, #tpu.memory_space<vmem>>
    %dma_start3A_74 = arith.constant 1024 : i32
    %dma_start3A_75 = tpu.memref_slice %arg8[%dma_start3A_74] : memref<6144xi32, #tpu.memory_space<vmem>> -> memref<128xi32, #tpu.memory_space<vmem>>
    %dma_start3A_76 = arith.constant 0 : i32
    %dma_start3A_77 = arith.constant 0 : i32
    %dma_start3A_78 = tpu.memref_slice %arg2[%dma_start3A_76, %dma_start3A_77] : memref<749952x16xf32, #tpu.memory_space<hbm>> -> memref<749952x16xf32, #tpu.memory_space<hbm>>
    tpu.enqueue_indirect_dma source(%dma_start3A_78 : memref<749952x16xf32, #tpu.memory_space<hbm>>) target(%dma_start3A_73 : memref<128x16xf32, #tpu.memory_space<vmem>>) offsets(%dma_start3A_75 : memref<128xi32, #tpu.memory_space<vmem>>) semaphore(%arg12 : memref<!tpu.dma_semaphore, #tpu.memory_space<semaphore_mem>>)
    %dma_start3A_79 = arith.constant 1152 : i32
    %dma_start3A_80 = arith.constant 0 : i32
    %dma_start3A_81 = tpu.memref_slice %arg9[%dma_start3A_79, %dma_start3A_80] : memref<6144x16xf32, #tpu.memory_space<vmem>> -> memref<128x16xf32, #tpu.memory_space<vmem>>
    %dma_start3A_82 = arith.constant 1152 : i32
    %dma_start3A_83 = tpu.memref_slice %arg8[%dma_start3A_82] : memref<6144xi32, #tpu.memory_space<vmem>> -> memref<128xi32, #tpu.memory_space<vmem>>
    %dma_start3A_84 = arith.constant 0 : i32
    %dma_start3A_85 = arith.constant 0 : i32
    %dma_start3A_86 = tpu.memref_slice %arg2[%dma_start3A_84, %dma_start3A_85] : memref<749952x16xf32, #tpu.memory_space<hbm>> -> memref<749952x16xf32, #tpu.memory_space<hbm>>
    tpu.enqueue_indirect_dma source(%dma_start3A_86 : memref<749952x16xf32, #tpu.memory_space<hbm>>) target(%dma_start3A_81 : memref<128x16xf32, #tpu.memory_space<vmem>>) offsets(%dma_start3A_83 : memref<128xi32, #tpu.memory_space<vmem>>) semaphore(%arg12 : memref<!tpu.dma_semaphore, #tpu.memory_space<semaphore_mem>>)
    %dma_start3A_87 = arith.constant 1280 : i32
    %dma_start3A_88 = arith.constant 0 : i32
    %dma_start3A_89 = tpu.memref_slice %arg9[%dma_start3A_87, %dma_start3A_88] : memref<6144x16xf32, #tpu.memory_space<vmem>> -> memref<128x16xf32, #tpu.memory_space<vmem>>
    %dma_start3A_90 = arith.constant 1280 : i32
    %dma_start3A_91 = tpu.memref_slice %arg8[%dma_start3A_90] : memref<6144xi32, #tpu.memory_space<vmem>> -> memref<128xi32, #tpu.memory_space<vmem>>
    %dma_start3A_92 = arith.constant 0 : i32
    %dma_start3A_93 = arith.constant 0 : i32
    %dma_start3A_94 = tpu.memref_slice %arg2[%dma_start3A_92, %dma_start3A_93] : memref<749952x16xf32, #tpu.memory_space<hbm>> -> memref<749952x16xf32, #tpu.memory_space<hbm>>
    tpu.enqueue_indirect_dma source(%dma_start3A_94 : memref<749952x16xf32, #tpu.memory_space<hbm>>) target(%dma_start3A_89 : memref<128x16xf32, #tpu.memory_space<vmem>>) offsets(%dma_start3A_91 : memref<128xi32, #tpu.memory_space<vmem>>) semaphore(%arg12 : memref<!tpu.dma_semaphore, #tpu.memory_space<semaphore_mem>>)
    %dma_start3A_95 = arith.constant 1408 : i32
    %dma_start3A_96 = arith.constant 0 : i32
    %dma_start3A_97 = tpu.memref_slice %arg9[%dma_start3A_95, %dma_start3A_96] : memref<6144x16xf32, #tpu.memory_space<vmem>> -> memref<128x16xf32, #tpu.memory_space<vmem>>
    %dma_start3A_98 = arith.constant 1408 : i32
    %dma_start3A_99 = tpu.memref_slice %arg8[%dma_start3A_98] : memref<6144xi32, #tpu.memory_space<vmem>> -> memref<128xi32, #tpu.memory_space<vmem>>
    %dma_start3A_100 = arith.constant 0 : i32
    %dma_start3A_101 = arith.constant 0 : i32
    %dma_start3A_102 = tpu.memref_slice %arg2[%dma_start3A_100, %dma_start3A_101] : memref<749952x16xf32, #tpu.memory_space<hbm>> -> memref<749952x16xf32, #tpu.memory_space<hbm>>
    tpu.enqueue_indirect_dma source(%dma_start3A_102 : memref<749952x16xf32, #tpu.memory_space<hbm>>) target(%dma_start3A_97 : memref<128x16xf32, #tpu.memory_space<vmem>>) offsets(%dma_start3A_99 : memref<128xi32, #tpu.memory_space<vmem>>) semaphore(%arg12 : memref<!tpu.dma_semaphore, #tpu.memory_space<semaphore_mem>>)
    %dma_start3A_103 = arith.constant 1536 : i32
    %dma_start3A_104 = arith.constant 0 : i32
    %dma_start3A_105 = tpu.memref_slice %arg9[%dma_start3A_103, %dma_start3A_104] : memref<6144x16xf32, #tpu.memory_space<vmem>> -> memref<128x16xf32, #tpu.memory_space<vmem>>
    %dma_start3A_106 = arith.constant 1536 : i32
    %dma_start3A_107 = tpu.memref_slice %arg8[%dma_start3A_106] : memref<6144xi32, #tpu.memory_space<vmem>> -> memref<128xi32, #tpu.memory_space<vmem>>
    %dma_start3A_108 = arith.constant 0 : i32
    %dma_start3A_109 = arith.constant 0 : i32
    %dma_start3A_110 = tpu.memref_slice %arg2[%dma_start3A_108, %dma_start3A_109] : memref<749952x16xf32, #tpu.memory_space<hbm>> -> memref<749952x16xf32, #tpu.memory_space<hbm>>
    tpu.enqueue_indirect_dma source(%dma_start3A_110 : memref<749952x16xf32, #tpu.memory_space<hbm>>) target(%dma_start3A_105 : memref<128x16xf32, #tpu.memory_space<vmem>>) offsets(%dma_start3A_107 : memref<128xi32, #tpu.memory_space<vmem>>) semaphore(%arg12 : memref<!tpu.dma_semaphore, #tpu.memory_space<semaphore_mem>>)
    %dma_start3A_111 = arith.constant 1664 : i32
    %dma_start3A_112 = arith.constant 0 : i32
    %dma_start3A_113 = tpu.memref_slice %arg9[%dma_start3A_111, %dma_start3A_112] : memref<6144x16xf32, #tpu.memory_space<vmem>> -> memref<128x16xf32, #tpu.memory_space<vmem>>
    %dma_start3A_114 = arith.constant 1664 : i32
    %dma_start3A_115 = tpu.memref_slice %arg8[%dma_start3A_114] : memref<6144xi32, #tpu.memory_space<vmem>> -> memref<128xi32, #tpu.memory_space<vmem>>
    %dma_start3A_116 = arith.constant 0 : i32
    %dma_start3A_117 = arith.constant 0 : i32
    %dma_start3A_118 = tpu.memref_slice %arg2[%dma_start3A_116, %dma_start3A_117] : memref<749952x16xf32, #tpu.memory_space<hbm>> -> memref<749952x16xf32, #tpu.memory_space<hbm>>
    tpu.enqueue_indirect_dma source(%dma_start3A_118 : memref<749952x16xf32, #tpu.memory_space<hbm>>) target(%dma_start3A_113 : memref<128x16xf32, #tpu.memory_space<vmem>>) offsets(%dma_start3A_115 : memref<128xi32, #tpu.memory_space<vmem>>) semaphore(%arg12 : memref<!tpu.dma_semaphore, #tpu.memory_space<semaphore_mem>>)
    %dma_start3A_119 = arith.constant 1792 : i32
    %dma_start3A_120 = arith.constant 0 : i32
    %dma_start3A_121 = tpu.memref_slice %arg9[%dma_start3A_119, %dma_start3A_120] : memref<6144x16xf32, #tpu.memory_space<vmem>> -> memref<128x16xf32, #tpu.memory_space<vmem>>
    %dma_start3A_122 = arith.constant 1792 : i32
    %dma_start3A_123 = tpu.memref_slice %arg8[%dma_start3A_122] : memref<6144xi32, #tpu.memory_space<vmem>> -> memref<128xi32, #tpu.memory_space<vmem>>
    %dma_start3A_124 = arith.constant 0 : i32
    %dma_start3A_125 = arith.constant 0 : i32
    %dma_start3A_126 = tpu.memref_slice %arg2[%dma_start3A_124, %dma_start3A_125] : memref<749952x16xf32, #tpu.memory_space<hbm>> -> memref<749952x16xf32, #tpu.memory_space<hbm>>
    tpu.enqueue_indirect_dma source(%dma_start3A_126 : memref<749952x16xf32, #tpu.memory_space<hbm>>) target(%dma_start3A_121 : memref<128x16xf32, #tpu.memory_space<vmem>>) offsets(%dma_start3A_123 : memref<128xi32, #tpu.memory_space<vmem>>) semaphore(%arg12 : memref<!tpu.dma_semaphore, #tpu.memory_space<semaphore_mem>>)
    %dma_start3A_127 = arith.constant 1920 : i32
    %dma_start3A_128 = arith.constant 0 : i32
    %dma_start3A_129 = tpu.memref_slice %arg9[%dma_start3A_127, %dma_start3A_128] : memref<6144x16xf32, #tpu.memory_space<vmem>> -> memref<128x16xf32, #tpu.memory_space<vmem>>
    %dma_start3A_130 = arith.constant 1920 : i32
    %dma_start3A_131 = tpu.memref_slice %arg8[%dma_start3A_130] : memref<6144xi32, #tpu.memory_space<vmem>> -> memref<128xi32, #tpu.memory_space<vmem>>
    %dma_start3A_132 = arith.constant 0 : i32
    %dma_start3A_133 = arith.constant 0 : i32
    %dma_start3A_134 = tpu.memref_slice %arg2[%dma_start3A_132, %dma_start3A_133] : memref<749952x16xf32, #tpu.memory_space<hbm>> -> memref<749952x16xf32, #tpu.memory_space<hbm>>
    tpu.enqueue_indirect_dma source(%dma_start3A_134 : memref<749952x16xf32, #tpu.memory_space<hbm>>) target(%dma_start3A_129 : memref<128x16xf32, #tpu.memory_space<vmem>>) offsets(%dma_start3A_131 : memref<128xi32, #tpu.memory_space<vmem>>) semaphore(%arg12 : memref<!tpu.dma_semaphore, #tpu.memory_space<semaphore_mem>>)
    %dma_start3A_135 = arith.constant 2048 : i32
    %dma_start3A_136 = arith.constant 0 : i32
    %dma_start3A_137 = tpu.memref_slice %arg9[%dma_start3A_135, %dma_start3A_136] : memref<6144x16xf32, #tpu.memory_space<vmem>> -> memref<128x16xf32, #tpu.memory_space<vmem>>
    %dma_start3A_138 = arith.constant 2048 : i32
    %dma_start3A_139 = tpu.memref_slice %arg8[%dma_start3A_138] : memref<6144xi32, #tpu.memory_space<vmem>> -> memref<128xi32, #tpu.memory_space<vmem>>
    %dma_start3A_140 = arith.constant 0 : i32
    %dma_start3A_141 = arith.constant 0 : i32
    %dma_start3A_142 = tpu.memref_slice %arg2[%dma_start3A_140, %dma_start3A_141] : memref<749952x16xf32, #tpu.memory_space<hbm>> -> memref<749952x16xf32, #tpu.memory_space<hbm>>
    tpu.enqueue_indirect_dma source(%dma_start3A_142 : memref<749952x16xf32, #tpu.memory_space<hbm>>) target(%dma_start3A_137 : memref<128x16xf32, #tpu.memory_space<vmem>>) offsets(%dma_start3A_139 : memref<128xi32, #tpu.memory_space<vmem>>) semaphore(%arg12 : memref<!tpu.dma_semaphore, #tpu.memory_space<semaphore_mem>>)
    %dma_start3A_143 = arith.constant 2176 : i32
    %dma_start3A_144 = arith.constant 0 : i32
    %dma_start3A_145 = tpu.memref_slice %arg9[%dma_start3A_143, %dma_start3A_144] : memref<6144x16xf32, #tpu.memory_space<vmem>> -> memref<128x16xf32, #tpu.memory_space<vmem>>
    %dma_start3A_146 = arith.constant 2176 : i32
    %dma_start3A_147 = tpu.memref_slice %arg8[%dma_start3A_146] : memref<6144xi32, #tpu.memory_space<vmem>> -> memref<128xi32, #tpu.memory_space<vmem>>
    %dma_start3A_148 = arith.constant 0 : i32
    %dma_start3A_149 = arith.constant 0 : i32
    %dma_start3A_150 = tpu.memref_slice %arg2[%dma_start3A_148, %dma_start3A_149] : memref<749952x16xf32, #tpu.memory_space<hbm>> -> memref<749952x16xf32, #tpu.memory_space<hbm>>
    tpu.enqueue_indirect_dma source(%dma_start3A_150 : memref<749952x16xf32, #tpu.memory_space<hbm>>) target(%dma_start3A_145 : memref<128x16xf32, #tpu.memory_space<vmem>>) offsets(%dma_start3A_147 : memref<128xi32, #tpu.memory_space<vmem>>) semaphore(%arg12 : memref<!tpu.dma_semaphore, #tpu.memory_space<semaphore_mem>>)
    %dma_start3A_151 = arith.constant 2304 : i32
    %dma_start3A_152 = arith.constant 0 : i32
    %dma_start3A_153 = tpu.memref_slice %arg9[%dma_start3A_151, %dma_start3A_152] : memref<6144x16xf32, #tpu.memory_space<vmem>> -> memref<128x16xf32, #tpu.memory_space<vmem>>
    %dma_start3A_154 = arith.constant 2304 : i32
    %dma_start3A_155 = tpu.memref_slice %arg8[%dma_start3A_154] : memref<6144xi32, #tpu.memory_space<vmem>> -> memref<128xi32, #tpu.memory_space<vmem>>
    %dma_start3A_156 = arith.constant 0 : i32
    %dma_start3A_157 = arith.constant 0 : i32
    %dma_start3A_158 = tpu.memref_slice %arg2[%dma_start3A_156, %dma_start3A_157] : memref<749952x16xf32, #tpu.memory_space<hbm>> -> memref<749952x16xf32, #tpu.memory_space<hbm>>
    tpu.enqueue_indirect_dma source(%dma_start3A_158 : memref<749952x16xf32, #tpu.memory_space<hbm>>) target(%dma_start3A_153 : memref<128x16xf32, #tpu.memory_space<vmem>>) offsets(%dma_start3A_155 : memref<128xi32, #tpu.memory_space<vmem>>) semaphore(%arg12 : memref<!tpu.dma_semaphore, #tpu.memory_space<semaphore_mem>>)
    %dma_start3A_159 = arith.constant 2432 : i32
    %dma_start3A_160 = arith.constant 0 : i32
    %dma_start3A_161 = tpu.memref_slice %arg9[%dma_start3A_159, %dma_start3A_160] : memref<6144x16xf32, #tpu.memory_space<vmem>> -> memref<128x16xf32, #tpu.memory_space<vmem>>
    %dma_start3A_162 = arith.constant 2432 : i32
    %dma_start3A_163 = tpu.memref_slice %arg8[%dma_start3A_162] : memref<6144xi32, #tpu.memory_space<vmem>> -> memref<128xi32, #tpu.memory_space<vmem>>
    %dma_start3A_164 = arith.constant 0 : i32
    %dma_start3A_165 = arith.constant 0 : i32
    %dma_start3A_166 = tpu.memref_slice %arg2[%dma_start3A_164, %dma_start3A_165] : memref<749952x16xf32, #tpu.memory_space<hbm>> -> memref<749952x16xf32, #tpu.memory_space<hbm>>
    tpu.enqueue_indirect_dma source(%dma_start3A_166 : memref<749952x16xf32, #tpu.memory_space<hbm>>) target(%dma_start3A_161 : memref<128x16xf32, #tpu.memory_space<vmem>>) offsets(%dma_start3A_163 : memref<128xi32, #tpu.memory_space<vmem>>) semaphore(%arg12 : memref<!tpu.dma_semaphore, #tpu.memory_space<semaphore_mem>>)
    %dma_start3A_167 = arith.constant 2560 : i32
    %dma_start3A_168 = arith.constant 0 : i32
    %dma_start3A_169 = tpu.memref_slice %arg9[%dma_start3A_167, %dma_start3A_168] : memref<6144x16xf32, #tpu.memory_space<vmem>> -> memref<128x16xf32, #tpu.memory_space<vmem>>
    %dma_start3A_170 = arith.constant 2560 : i32
    %dma_start3A_171 = tpu.memref_slice %arg8[%dma_start3A_170] : memref<6144xi32, #tpu.memory_space<vmem>> -> memref<128xi32, #tpu.memory_space<vmem>>
    %dma_start3A_172 = arith.constant 0 : i32
    %dma_start3A_173 = arith.constant 0 : i32
    %dma_start3A_174 = tpu.memref_slice %arg2[%dma_start3A_172, %dma_start3A_173] : memref<749952x16xf32, #tpu.memory_space<hbm>> -> memref<749952x16xf32, #tpu.memory_space<hbm>>
    tpu.enqueue_indirect_dma source(%dma_start3A_174 : memref<749952x16xf32, #tpu.memory_space<hbm>>) target(%dma_start3A_169 : memref<128x16xf32, #tpu.memory_space<vmem>>) offsets(%dma_start3A_171 : memref<128xi32, #tpu.memory_space<vmem>>) semaphore(%arg12 : memref<!tpu.dma_semaphore, #tpu.memory_space<semaphore_mem>>)
    %dma_start3A_175 = arith.constant 2688 : i32
    %dma_start3A_176 = arith.constant 0 : i32
    %dma_start3A_177 = tpu.memref_slice %arg9[%dma_start3A_175, %dma_start3A_176] : memref<6144x16xf32, #tpu.memory_space<vmem>> -> memref<128x16xf32, #tpu.memory_space<vmem>>
    %dma_start3A_178 = arith.constant 2688 : i32
    %dma_start3A_179 = tpu.memref_slice %arg8[%dma_start3A_178] : memref<6144xi32, #tpu.memory_space<vmem>> -> memref<128xi32, #tpu.memory_space<vmem>>
    %dma_start3A_180 = arith.constant 0 : i32
    %dma_start3A_181 = arith.constant 0 : i32
    %dma_start3A_182 = tpu.memref_slice %arg2[%dma_start3A_180, %dma_start3A_181] : memref<749952x16xf32, #tpu.memory_space<hbm>> -> memref<749952x16xf32, #tpu.memory_space<hbm>>
    tpu.enqueue_indirect_dma source(%dma_start3A_182 : memref<749952x16xf32, #tpu.memory_space<hbm>>) target(%dma_start3A_177 : memref<128x16xf32, #tpu.memory_space<vmem>>) offsets(%dma_start3A_179 : memref<128xi32, #tpu.memory_space<vmem>>) semaphore(%arg12 : memref<!tpu.dma_semaphore, #tpu.memory_space<semaphore_mem>>)
    %dma_start3A_183 = arith.constant 2816 : i32
    %dma_start3A_184 = arith.constant 0 : i32
    %dma_start3A_185 = tpu.memref_slice %arg9[%dma_start3A_183, %dma_start3A_184] : memref<6144x16xf32, #tpu.memory_space<vmem>> -> memref<128x16xf32, #tpu.memory_space<vmem>>
    %dma_start3A_186 = arith.constant 2816 : i32
    %dma_start3A_187 = tpu.memref_slice %arg8[%dma_start3A_186] : memref<6144xi32, #tpu.memory_space<vmem>> -> memref<128xi32, #tpu.memory_space<vmem>>
    %dma_start3A_188 = arith.constant 0 : i32
    %dma_start3A_189 = arith.constant 0 : i32
    %dma_start3A_190 = tpu.memref_slice %arg2[%dma_start3A_188, %dma_start3A_189] : memref<749952x16xf32, #tpu.memory_space<hbm>> -> memref<749952x16xf32, #tpu.memory_space<hbm>>
    tpu.enqueue_indirect_dma source(%dma_start3A_190 : memref<749952x16xf32, #tpu.memory_space<hbm>>) target(%dma_start3A_185 : memref<128x16xf32, #tpu.memory_space<vmem>>) offsets(%dma_start3A_187 : memref<128xi32, #tpu.memory_space<vmem>>) semaphore(%arg12 : memref<!tpu.dma_semaphore, #tpu.memory_space<semaphore_mem>>)
    %dma_start3A_191 = arith.constant 2944 : i32
    %dma_start3A_192 = arith.constant 0 : i32
    %dma_start3A_193 = tpu.memref_slice %arg9[%dma_start3A_191, %dma_start3A_192] : memref<6144x16xf32, #tpu.memory_space<vmem>> -> memref<128x16xf32, #tpu.memory_space<vmem>>
    %dma_start3A_194 = arith.constant 2944 : i32
    %dma_start3A_195 = tpu.memref_slice %arg8[%dma_start3A_194] : memref<6144xi32, #tpu.memory_space<vmem>> -> memref<128xi32, #tpu.memory_space<vmem>>
    %dma_start3A_196 = arith.constant 0 : i32
    %dma_start3A_197 = arith.constant 0 : i32
    %dma_start3A_198 = tpu.memref_slice %arg2[%dma_start3A_196, %dma_start3A_197] : memref<749952x16xf32, #tpu.memory_space<hbm>> -> memref<749952x16xf32, #tpu.memory_space<hbm>>
    tpu.enqueue_indirect_dma source(%dma_start3A_198 : memref<749952x16xf32, #tpu.memory_space<hbm>>) target(%dma_start3A_193 : memref<128x16xf32, #tpu.memory_space<vmem>>) offsets(%dma_start3A_195 : memref<128xi32, #tpu.memory_space<vmem>>) semaphore(%arg12 : memref<!tpu.dma_semaphore, #tpu.memory_space<semaphore_mem>>)
    %dma_start3A_199 = arith.constant 3072 : i32
    %dma_start3A_200 = arith.constant 0 : i32
    %dma_start3A_201 = tpu.memref_slice %arg9[%dma_start3A_199, %dma_start3A_200] : memref<6144x16xf32, #tpu.memory_space<vmem>> -> memref<128x16xf32, #tpu.memory_space<vmem>>
    %dma_start3A_202 = arith.constant 3072 : i32
    %dma_start3A_203 = tpu.memref_slice %arg8[%dma_start3A_202] : memref<6144xi32, #tpu.memory_space<vmem>> -> memref<128xi32, #tpu.memory_space<vmem>>
    %dma_start3A_204 = arith.constant 0 : i32
    %dma_start3A_205 = arith.constant 0 : i32
    %dma_start3A_206 = tpu.memref_slice %arg2[%dma_start3A_204, %dma_start3A_205] : memref<749952x16xf32, #tpu.memory_space<hbm>> -> memref<749952x16xf32, #tpu.memory_space<hbm>>
    tpu.enqueue_indirect_dma source(%dma_start3A_206 : memref<749952x16xf32, #tpu.memory_space<hbm>>) target(%dma_start3A_201 : memref<128x16xf32, #tpu.memory_space<vmem>>) offsets(%dma_start3A_203 : memref<128xi32, #tpu.memory_space<vmem>>) semaphore(%arg12 : memref<!tpu.dma_semaphore, #tpu.memory_space<semaphore_mem>>)
    %dma_start3A_207 = arith.constant 3200 : i32
    %dma_start3A_208 = arith.constant 0 : i32
    %dma_start3A_209 = tpu.memref_slice %arg9[%dma_start3A_207, %dma_start3A_208] : memref<6144x16xf32, #tpu.memory_space<vmem>> -> memref<128x16xf32, #tpu.memory_space<vmem>>
    %dma_start3A_210 = arith.constant 3200 : i32
    %dma_start3A_211 = tpu.memref_slice %arg8[%dma_start3A_210] : memref<6144xi32, #tpu.memory_space<vmem>> -> memref<128xi32, #tpu.memory_space<vmem>>
    %dma_start3A_212 = arith.constant 0 : i32
    %dma_start3A_213 = arith.constant 0 : i32
    %dma_start3A_214 = tpu.memref_slice %arg2[%dma_start3A_212, %dma_start3A_213] : memref<749952x16xf32, #tpu.memory_space<hbm>> -> memref<749952x16xf32, #tpu.memory_space<hbm>>
    tpu.enqueue_indirect_dma source(%dma_start3A_214 : memref<749952x16xf32, #tpu.memory_space<hbm>>) target(%dma_start3A_209 : memref<128x16xf32, #tpu.memory_space<vmem>>) offsets(%dma_start3A_211 : memref<128xi32, #tpu.memory_space<vmem>>) semaphore(%arg12 : memref<!tpu.dma_semaphore, #tpu.memory_space<semaphore_mem>>)
    %dma_start3A_215 = arith.constant 3328 : i32
    %dma_start3A_216 = arith.constant 0 : i32
    %dma_start3A_217 = tpu.memref_slice %arg9[%dma_start3A_215, %dma_start3A_216] : memref<6144x16xf32, #tpu.memory_space<vmem>> -> memref<128x16xf32, #tpu.memory_space<vmem>>
    %dma_start3A_218 = arith.constant 3328 : i32
    %dma_start3A_219 = tpu.memref_slice %arg8[%dma_start3A_218] : memref<6144xi32, #tpu.memory_space<vmem>> -> memref<128xi32, #tpu.memory_space<vmem>>
    %dma_start3A_220 = arith.constant 0 : i32
    %dma_start3A_221 = arith.constant 0 : i32
    %dma_start3A_222 = tpu.memref_slice %arg2[%dma_start3A_220, %dma_start3A_221] : memref<749952x16xf32, #tpu.memory_space<hbm>> -> memref<749952x16xf32, #tpu.memory_space<hbm>>
    tpu.enqueue_indirect_dma source(%dma_start3A_222 : memref<749952x16xf32, #tpu.memory_space<hbm>>) target(%dma_start3A_217 : memref<128x16xf32, #tpu.memory_space<vmem>>) offsets(%dma_start3A_219 : memref<128xi32, #tpu.memory_space<vmem>>) semaphore(%arg12 : memref<!tpu.dma_semaphore, #tpu.memory_space<semaphore_mem>>)
    %dma_start3A_223 = arith.constant 3456 : i32
    %dma_start3A_224 = arith.constant 0 : i32
    %dma_start3A_225 = tpu.memref_slice %arg9[%dma_start3A_223, %dma_start3A_224] : memref<6144x16xf32, #tpu.memory_space<vmem>> -> memref<128x16xf32, #tpu.memory_space<vmem>>
    %dma_start3A_226 = arith.constant 3456 : i32
    %dma_start3A_227 = tpu.memref_slice %arg8[%dma_start3A_226] : memref<6144xi32, #tpu.memory_space<vmem>> -> memref<128xi32, #tpu.memory_space<vmem>>
    %dma_start3A_228 = arith.constant 0 : i32
    %dma_start3A_229 = arith.constant 0 : i32
    %dma_start3A_230 = tpu.memref_slice %arg2[%dma_start3A_228, %dma_start3A_229] : memref<749952x16xf32, #tpu.memory_space<hbm>> -> memref<749952x16xf32, #tpu.memory_space<hbm>>
    tpu.enqueue_indirect_dma source(%dma_start3A_230 : memref<749952x16xf32, #tpu.memory_space<hbm>>) target(%dma_start3A_225 : memref<128x16xf32, #tpu.memory_space<vmem>>) offsets(%dma_start3A_227 : memref<128xi32, #tpu.memory_space<vmem>>) semaphore(%arg12 : memref<!tpu.dma_semaphore, #tpu.memory_space<semaphore_mem>>)
    %dma_start3A_231 = arith.constant 3584 : i32
    %dma_start3A_232 = arith.constant 0 : i32
    %dma_start3A_233 = tpu.memref_slice %arg9[%dma_start3A_231, %dma_start3A_232] : memref<6144x16xf32, #tpu.memory_space<vmem>> -> memref<128x16xf32, #tpu.memory_space<vmem>>
    %dma_start3A_234 = arith.constant 3584 : i32
    %dma_start3A_235 = tpu.memref_slice %arg8[%dma_start3A_234] : memref<6144xi32, #tpu.memory_space<vmem>> -> memref<128xi32, #tpu.memory_space<vmem>>
    %dma_start3A_236 = arith.constant 0 : i32
    %dma_start3A_237 = arith.constant 0 : i32
    %dma_start3A_238 = tpu.memref_slice %arg2[%dma_start3A_236, %dma_start3A_237] : memref<749952x16xf32, #tpu.memory_space<hbm>> -> memref<749952x16xf32, #tpu.memory_space<hbm>>
    tpu.enqueue_indirect_dma source(%dma_start3A_238 : memref<749952x16xf32, #tpu.memory_space<hbm>>) target(%dma_start3A_233 : memref<128x16xf32, #tpu.memory_space<vmem>>) offsets(%dma_start3A_235 : memref<128xi32, #tpu.memory_space<vmem>>) semaphore(%arg12 : memref<!tpu.dma_semaphore, #tpu.memory_space<semaphore_mem>>)
    %dma_start3A_239 = arith.constant 3712 : i32
    %dma_start3A_240 = arith.constant 0 : i32
    %dma_start3A_241 = tpu.memref_slice %arg9[%dma_start3A_239, %dma_start3A_240] : memref<6144x16xf32, #tpu.memory_space<vmem>> -> memref<128x16xf32, #tpu.memory_space<vmem>>
    %dma_start3A_242 = arith.constant 3712 : i32
    %dma_start3A_243 = tpu.memref_slice %arg8[%dma_start3A_242] : memref<6144xi32, #tpu.memory_space<vmem>> -> memref<128xi32, #tpu.memory_space<vmem>>
    %dma_start3A_244 = arith.constant 0 : i32
    %dma_start3A_245 = arith.constant 0 : i32
    %dma_start3A_246 = tpu.memref_slice %arg2[%dma_start3A_244, %dma_start3A_245] : memref<749952x16xf32, #tpu.memory_space<hbm>> -> memref<749952x16xf32, #tpu.memory_space<hbm>>
    tpu.enqueue_indirect_dma source(%dma_start3A_246 : memref<749952x16xf32, #tpu.memory_space<hbm>>) target(%dma_start3A_241 : memref<128x16xf32, #tpu.memory_space<vmem>>) offsets(%dma_start3A_243 : memref<128xi32, #tpu.memory_space<vmem>>) semaphore(%arg12 : memref<!tpu.dma_semaphore, #tpu.memory_space<semaphore_mem>>)
    %dma_start3A_247 = arith.constant 3840 : i32
    %dma_start3A_248 = arith.constant 0 : i32
    %dma_start3A_249 = tpu.memref_slice %arg9[%dma_start3A_247, %dma_start3A_248] : memref<6144x16xf32, #tpu.memory_space<vmem>> -> memref<128x16xf32, #tpu.memory_space<vmem>>
    %dma_start3A_250 = arith.constant 3840 : i32
    %dma_start3A_251 = tpu.memref_slice %arg8[%dma_start3A_250] : memref<6144xi32, #tpu.memory_space<vmem>> -> memref<128xi32, #tpu.memory_space<vmem>>
    %dma_start3A_252 = arith.constant 0 : i32
    %dma_start3A_253 = arith.constant 0 : i32
    %dma_start3A_254 = tpu.memref_slice %arg2[%dma_start3A_252, %dma_start3A_253] : memref<749952x16xf32, #tpu.memory_space<hbm>> -> memref<749952x16xf32, #tpu.memory_space<hbm>>
    tpu.enqueue_indirect_dma source(%dma_start3A_254 : memref<749952x16xf32, #tpu.memory_space<hbm>>) target(%dma_start3A_249 : memref<128x16xf32, #tpu.memory_space<vmem>>) offsets(%dma_start3A_251 : memref<128xi32, #tpu.memory_space<vmem>>) semaphore(%arg12 : memref<!tpu.dma_semaphore, #tpu.memory_space<semaphore_mem>>)
    %dma_start3A_255 = arith.constant 3968 : i32
    %dma_start3A_256 = arith.constant 0 : i32
    %dma_start3A_257 = tpu.memref_slice %arg9[%dma_start3A_255, %dma_start3A_256] : memref<6144x16xf32, #tpu.memory_space<vmem>> -> memref<128x16xf32, #tpu.memory_space<vmem>>
    %dma_start3A_258 = arith.constant 3968 : i32
    %dma_start3A_259 = tpu.memref_slice %arg8[%dma_start3A_258] : memref<6144xi32, #tpu.memory_space<vmem>> -> memref<128xi32, #tpu.memory_space<vmem>>
    %dma_start3A_260 = arith.constant 0 : i32
    %dma_start3A_261 = arith.constant 0 : i32
    %dma_start3A_262 = tpu.memref_slice %arg2[%dma_start3A_260, %dma_start3A_261] : memref<749952x16xf32, #tpu.memory_space<hbm>> -> memref<749952x16xf32, #tpu.memory_space<hbm>>
    tpu.enqueue_indirect_dma source(%dma_start3A_262 : memref<749952x16xf32, #tpu.memory_space<hbm>>) target(%dma_start3A_257 : memref<128x16xf32, #tpu.memory_space<vmem>>) offsets(%dma_start3A_259 : memref<128xi32, #tpu.memory_space<vmem>>) semaphore(%arg12 : memref<!tpu.dma_semaphore, #tpu.memory_space<semaphore_mem>>)
    %dma_start3A_263 = arith.constant 4096 : i32
    %dma_start3A_264 = arith.constant 0 : i32
    %dma_start3A_265 = tpu.memref_slice %arg9[%dma_start3A_263, %dma_start3A_264] : memref<6144x16xf32, #tpu.memory_space<vmem>> -> memref<128x16xf32, #tpu.memory_space<vmem>>
    %dma_start3A_266 = arith.constant 4096 : i32
    %dma_start3A_267 = tpu.memref_slice %arg8[%dma_start3A_266] : memref<6144xi32, #tpu.memory_space<vmem>> -> memref<128xi32, #tpu.memory_space<vmem>>
    %dma_start3A_268 = arith.constant 0 : i32
    %dma_start3A_269 = arith.constant 0 : i32
    %dma_start3A_270 = tpu.memref_slice %arg2[%dma_start3A_268, %dma_start3A_269] : memref<749952x16xf32, #tpu.memory_space<hbm>> -> memref<749952x16xf32, #tpu.memory_space<hbm>>
    tpu.enqueue_indirect_dma source(%dma_start3A_270 : memref<749952x16xf32, #tpu.memory_space<hbm>>) target(%dma_start3A_265 : memref<128x16xf32, #tpu.memory_space<vmem>>) offsets(%dma_start3A_267 : memref<128xi32, #tpu.memory_space<vmem>>) semaphore(%arg12 : memref<!tpu.dma_semaphore, #tpu.memory_space<semaphore_mem>>)
    %dma_start3A_271 = arith.constant 4224 : i32
    %dma_start3A_272 = arith.constant 0 : i32
    %dma_start3A_273 = tpu.memref_slice %arg9[%dma_start3A_271, %dma_start3A_272] : memref<6144x16xf32, #tpu.memory_space<vmem>> -> memref<128x16xf32, #tpu.memory_space<vmem>>
    %dma_start3A_274 = arith.constant 4224 : i32
    %dma_start3A_275 = tpu.memref_slice %arg8[%dma_start3A_274] : memref<6144xi32, #tpu.memory_space<vmem>> -> memref<128xi32, #tpu.memory_space<vmem>>
    %dma_start3A_276 = arith.constant 0 : i32
    %dma_start3A_277 = arith.constant 0 : i32
    %dma_start3A_278 = tpu.memref_slice %arg2[%dma_start3A_276, %dma_start3A_277] : memref<749952x16xf32, #tpu.memory_space<hbm>> -> memref<749952x16xf32, #tpu.memory_space<hbm>>
    tpu.enqueue_indirect_dma source(%dma_start3A_278 : memref<749952x16xf32, #tpu.memory_space<hbm>>) target(%dma_start3A_273 : memref<128x16xf32, #tpu.memory_space<vmem>>) offsets(%dma_start3A_275 : memref<128xi32, #tpu.memory_space<vmem>>) semaphore(%arg12 : memref<!tpu.dma_semaphore, #tpu.memory_space<semaphore_mem>>)
    %dma_start3A_279 = arith.constant 4352 : i32
    %dma_start3A_280 = arith.constant 0 : i32
    %dma_start3A_281 = tpu.memref_slice %arg9[%dma_start3A_279, %dma_start3A_280] : memref<6144x16xf32, #tpu.memory_space<vmem>> -> memref<128x16xf32, #tpu.memory_space<vmem>>
    %dma_start3A_282 = arith.constant 4352 : i32
    %dma_start3A_283 = tpu.memref_slice %arg8[%dma_start3A_282] : memref<6144xi32, #tpu.memory_space<vmem>> -> memref<128xi32, #tpu.memory_space<vmem>>
    %dma_start3A_284 = arith.constant 0 : i32
    %dma_start3A_285 = arith.constant 0 : i32
    %dma_start3A_286 = tpu.memref_slice %arg2[%dma_start3A_284, %dma_start3A_285] : memref<749952x16xf32, #tpu.memory_space<hbm>> -> memref<749952x16xf32, #tpu.memory_space<hbm>>
    tpu.enqueue_indirect_dma source(%dma_start3A_286 : memref<749952x16xf32, #tpu.memory_space<hbm>>) target(%dma_start3A_281 : memref<128x16xf32, #tpu.memory_space<vmem>>) offsets(%dma_start3A_283 : memref<128xi32, #tpu.memory_space<vmem>>) semaphore(%arg12 : memref<!tpu.dma_semaphore, #tpu.memory_space<semaphore_mem>>)
    %dma_start3A_287 = arith.constant 4480 : i32
    %dma_start3A_288 = arith.constant 0 : i32
    %dma_start3A_289 = tpu.memref_slice %arg9[%dma_start3A_287, %dma_start3A_288] : memref<6144x16xf32, #tpu.memory_space<vmem>> -> memref<128x16xf32, #tpu.memory_space<vmem>>
    %dma_start3A_290 = arith.constant 4480 : i32
    %dma_start3A_291 = tpu.memref_slice %arg8[%dma_start3A_290] : memref<6144xi32, #tpu.memory_space<vmem>> -> memref<128xi32, #tpu.memory_space<vmem>>
    %dma_start3A_292 = arith.constant 0 : i32
    %dma_start3A_293 = arith.constant 0 : i32
    %dma_start3A_294 = tpu.memref_slice %arg2[%dma_start3A_292, %dma_start3A_293] : memref<749952x16xf32, #tpu.memory_space<hbm>> -> memref<749952x16xf32, #tpu.memory_space<hbm>>
    tpu.enqueue_indirect_dma source(%dma_start3A_294 : memref<749952x16xf32, #tpu.memory_space<hbm>>) target(%dma_start3A_289 : memref<128x16xf32, #tpu.memory_space<vmem>>) offsets(%dma_start3A_291 : memref<128xi32, #tpu.memory_space<vmem>>) semaphore(%arg12 : memref<!tpu.dma_semaphore, #tpu.memory_space<semaphore_mem>>)
    %dma_start3A_295 = arith.constant 4608 : i32
    %dma_start3A_296 = arith.constant 0 : i32
    %dma_start3A_297 = tpu.memref_slice %arg9[%dma_start3A_295, %dma_start3A_296] : memref<6144x16xf32, #tpu.memory_space<vmem>> -> memref<128x16xf32, #tpu.memory_space<vmem>>
    %dma_start3A_298 = arith.constant 4608 : i32
    %dma_start3A_299 = tpu.memref_slice %arg8[%dma_start3A_298] : memref<6144xi32, #tpu.memory_space<vmem>> -> memref<128xi32, #tpu.memory_space<vmem>>
    %dma_start3A_300 = arith.constant 0 : i32
    %dma_start3A_301 = arith.constant 0 : i32
    %dma_start3A_302 = tpu.memref_slice %arg2[%dma_start3A_300, %dma_start3A_301] : memref<749952x16xf32, #tpu.memory_space<hbm>> -> memref<749952x16xf32, #tpu.memory_space<hbm>>
    tpu.enqueue_indirect_dma source(%dma_start3A_302 : memref<749952x16xf32, #tpu.memory_space<hbm>>) target(%dma_start3A_297 : memref<128x16xf32, #tpu.memory_space<vmem>>) offsets(%dma_start3A_299 : memref<128xi32, #tpu.memory_space<vmem>>) semaphore(%arg12 : memref<!tpu.dma_semaphore, #tpu.memory_space<semaphore_mem>>)
    %dma_start3A_303 = arith.constant 4736 : i32
    %dma_start3A_304 = arith.constant 0 : i32
    %dma_start3A_305 = tpu.memref_slice %arg9[%dma_start3A_303, %dma_start3A_304] : memref<6144x16xf32, #tpu.memory_space<vmem>> -> memref<128x16xf32, #tpu.memory_space<vmem>>
    %dma_start3A_306 = arith.constant 4736 : i32
    %dma_start3A_307 = tpu.memref_slice %arg8[%dma_start3A_306] : memref<6144xi32, #tpu.memory_space<vmem>> -> memref<128xi32, #tpu.memory_space<vmem>>
    %dma_start3A_308 = arith.constant 0 : i32
    %dma_start3A_309 = arith.constant 0 : i32
    %dma_start3A_310 = tpu.memref_slice %arg2[%dma_start3A_308, %dma_start3A_309] : memref<749952x16xf32, #tpu.memory_space<hbm>> -> memref<749952x16xf32, #tpu.memory_space<hbm>>
    tpu.enqueue_indirect_dma source(%dma_start3A_310 : memref<749952x16xf32, #tpu.memory_space<hbm>>) target(%dma_start3A_305 : memref<128x16xf32, #tpu.memory_space<vmem>>) offsets(%dma_start3A_307 : memref<128xi32, #tpu.memory_space<vmem>>) semaphore(%arg12 : memref<!tpu.dma_semaphore, #tpu.memory_space<semaphore_mem>>)
    %dma_start3A_311 = arith.constant 4864 : i32
    %dma_start3A_312 = arith.constant 0 : i32
    %dma_start3A_313 = tpu.memref_slice %arg9[%dma_start3A_311, %dma_start3A_312] : memref<6144x16xf32, #tpu.memory_space<vmem>> -> memref<128x16xf32, #tpu.memory_space<vmem>>
    %dma_start3A_314 = arith.constant 4864 : i32
    %dma_start3A_315 = tpu.memref_slice %arg8[%dma_start3A_314] : memref<6144xi32, #tpu.memory_space<vmem>> -> memref<128xi32, #tpu.memory_space<vmem>>
    %dma_start3A_316 = arith.constant 0 : i32
    %dma_start3A_317 = arith.constant 0 : i32
    %dma_start3A_318 = tpu.memref_slice %arg2[%dma_start3A_316, %dma_start3A_317] : memref<749952x16xf32, #tpu.memory_space<hbm>> -> memref<749952x16xf32, #tpu.memory_space<hbm>>
    tpu.enqueue_indirect_dma source(%dma_start3A_318 : memref<749952x16xf32, #tpu.memory_space<hbm>>) target(%dma_start3A_313 : memref<128x16xf32, #tpu.memory_space<vmem>>) offsets(%dma_start3A_315 : memref<128xi32, #tpu.memory_space<vmem>>) semaphore(%arg12 : memref<!tpu.dma_semaphore, #tpu.memory_space<semaphore_mem>>)
    %dma_start3A_319 = arith.constant 4992 : i32
    %dma_start3A_320 = arith.constant 0 : i32
    %dma_start3A_321 = tpu.memref_slice %arg9[%dma_start3A_319, %dma_start3A_320] : memref<6144x16xf32, #tpu.memory_space<vmem>> -> memref<128x16xf32, #tpu.memory_space<vmem>>
    %dma_start3A_322 = arith.constant 4992 : i32
    %dma_start3A_323 = tpu.memref_slice %arg8[%dma_start3A_322] : memref<6144xi32, #tpu.memory_space<vmem>> -> memref<128xi32, #tpu.memory_space<vmem>>
    %dma_start3A_324 = arith.constant 0 : i32
    %dma_start3A_325 = arith.constant 0 : i32
    %dma_start3A_326 = tpu.memref_slice %arg2[%dma_start3A_324, %dma_start3A_325] : memref<749952x16xf32, #tpu.memory_space<hbm>> -> memref<749952x16xf32, #tpu.memory_space<hbm>>
    tpu.enqueue_indirect_dma source(%dma_start3A_326 : memref<749952x16xf32, #tpu.memory_space<hbm>>) target(%dma_start3A_321 : memref<128x16xf32, #tpu.memory_space<vmem>>) offsets(%dma_start3A_323 : memref<128xi32, #tpu.memory_space<vmem>>) semaphore(%arg12 : memref<!tpu.dma_semaphore, #tpu.memory_space<semaphore_mem>>)
    %dma_start3A_327 = arith.constant 5120 : i32
    %dma_start3A_328 = arith.constant 0 : i32
    %dma_start3A_329 = tpu.memref_slice %arg9[%dma_start3A_327, %dma_start3A_328] : memref<6144x16xf32, #tpu.memory_space<vmem>> -> memref<128x16xf32, #tpu.memory_space<vmem>>
    %dma_start3A_330 = arith.constant 5120 : i32
    %dma_start3A_331 = tpu.memref_slice %arg8[%dma_start3A_330] : memref<6144xi32, #tpu.memory_space<vmem>> -> memref<128xi32, #tpu.memory_space<vmem>>
    %dma_start3A_332 = arith.constant 0 : i32
    %dma_start3A_333 = arith.constant 0 : i32
    %dma_start3A_334 = tpu.memref_slice %arg2[%dma_start3A_332, %dma_start3A_333] : memref<749952x16xf32, #tpu.memory_space<hbm>> -> memref<749952x16xf32, #tpu.memory_space<hbm>>
    tpu.enqueue_indirect_dma source(%dma_start3A_334 : memref<749952x16xf32, #tpu.memory_space<hbm>>) target(%dma_start3A_329 : memref<128x16xf32, #tpu.memory_space<vmem>>) offsets(%dma_start3A_331 : memref<128xi32, #tpu.memory_space<vmem>>) semaphore(%arg12 : memref<!tpu.dma_semaphore, #tpu.memory_space<semaphore_mem>>)
    %dma_start3A_335 = arith.constant 5248 : i32
    %dma_start3A_336 = arith.constant 0 : i32
    %dma_start3A_337 = tpu.memref_slice %arg9[%dma_start3A_335, %dma_start3A_336] : memref<6144x16xf32, #tpu.memory_space<vmem>> -> memref<128x16xf32, #tpu.memory_space<vmem>>
    %dma_start3A_338 = arith.constant 5248 : i32
    %dma_start3A_339 = tpu.memref_slice %arg8[%dma_start3A_338] : memref<6144xi32, #tpu.memory_space<vmem>> -> memref<128xi32, #tpu.memory_space<vmem>>
    %dma_start3A_340 = arith.constant 0 : i32
    %dma_start3A_341 = arith.constant 0 : i32
    %dma_start3A_342 = tpu.memref_slice %arg2[%dma_start3A_340, %dma_start3A_341] : memref<749952x16xf32, #tpu.memory_space<hbm>> -> memref<749952x16xf32, #tpu.memory_space<hbm>>
    tpu.enqueue_indirect_dma source(%dma_start3A_342 : memref<749952x16xf32, #tpu.memory_space<hbm>>) target(%dma_start3A_337 : memref<128x16xf32, #tpu.memory_space<vmem>>) offsets(%dma_start3A_339 : memref<128xi32, #tpu.memory_space<vmem>>) semaphore(%arg12 : memref<!tpu.dma_semaphore, #tpu.memory_space<semaphore_mem>>)
    %dma_start3A_343 = arith.constant 5376 : i32
    %dma_start3A_344 = arith.constant 0 : i32
    %dma_start3A_345 = tpu.memref_slice %arg9[%dma_start3A_343, %dma_start3A_344] : memref<6144x16xf32, #tpu.memory_space<vmem>> -> memref<128x16xf32, #tpu.memory_space<vmem>>
    %dma_start3A_346 = arith.constant 5376 : i32
    %dma_start3A_347 = tpu.memref_slice %arg8[%dma_start3A_346] : memref<6144xi32, #tpu.memory_space<vmem>> -> memref<128xi32, #tpu.memory_space<vmem>>
    %dma_start3A_348 = arith.constant 0 : i32
    %dma_start3A_349 = arith.constant 0 : i32
    %dma_start3A_350 = tpu.memref_slice %arg2[%dma_start3A_348, %dma_start3A_349] : memref<749952x16xf32, #tpu.memory_space<hbm>> -> memref<749952x16xf32, #tpu.memory_space<hbm>>
    tpu.enqueue_indirect_dma source(%dma_start3A_350 : memref<749952x16xf32, #tpu.memory_space<hbm>>) target(%dma_start3A_345 : memref<128x16xf32, #tpu.memory_space<vmem>>) offsets(%dma_start3A_347 : memref<128xi32, #tpu.memory_space<vmem>>) semaphore(%arg12 : memref<!tpu.dma_semaphore, #tpu.memory_space<semaphore_mem>>)
    %dma_start3A_351 = arith.constant 5504 : i32
    %dma_start3A_352 = arith.constant 0 : i32
    %dma_start3A_353 = tpu.memref_slice %arg9[%dma_start3A_351, %dma_start3A_352] : memref<6144x16xf32, #tpu.memory_space<vmem>> -> memref<128x16xf32, #tpu.memory_space<vmem>>
    %dma_start3A_354 = arith.constant 5504 : i32
    %dma_start3A_355 = tpu.memref_slice %arg8[%dma_start3A_354] : memref<6144xi32, #tpu.memory_space<vmem>> -> memref<128xi32, #tpu.memory_space<vmem>>
    %dma_start3A_356 = arith.constant 0 : i32
    %dma_start3A_357 = arith.constant 0 : i32
    %dma_start3A_358 = tpu.memref_slice %arg2[%dma_start3A_356, %dma_start3A_357] : memref<749952x16xf32, #tpu.memory_space<hbm>> -> memref<749952x16xf32, #tpu.memory_space<hbm>>
    tpu.enqueue_indirect_dma source(%dma_start3A_358 : memref<749952x16xf32, #tpu.memory_space<hbm>>) target(%dma_start3A_353 : memref<128x16xf32, #tpu.memory_space<vmem>>) offsets(%dma_start3A_355 : memref<128xi32, #tpu.memory_space<vmem>>) semaphore(%arg12 : memref<!tpu.dma_semaphore, #tpu.memory_space<semaphore_mem>>)
    %dma_start3A_359 = arith.constant 5632 : i32
    %dma_start3A_360 = arith.constant 0 : i32
    %dma_start3A_361 = tpu.memref_slice %arg9[%dma_start3A_359, %dma_start3A_360] : memref<6144x16xf32, #tpu.memory_space<vmem>> -> memref<128x16xf32, #tpu.memory_space<vmem>>
    %dma_start3A_362 = arith.constant 5632 : i32
    %dma_start3A_363 = tpu.memref_slice %arg8[%dma_start3A_362] : memref<6144xi32, #tpu.memory_space<vmem>> -> memref<128xi32, #tpu.memory_space<vmem>>
    %dma_start3A_364 = arith.constant 0 : i32
    %dma_start3A_365 = arith.constant 0 : i32
    %dma_start3A_366 = tpu.memref_slice %arg2[%dma_start3A_364, %dma_start3A_365] : memref<749952x16xf32, #tpu.memory_space<hbm>> -> memref<749952x16xf32, #tpu.memory_space<hbm>>
    tpu.enqueue_indirect_dma source(%dma_start3A_366 : memref<749952x16xf32, #tpu.memory_space<hbm>>) target(%dma_start3A_361 : memref<128x16xf32, #tpu.memory_space<vmem>>) offsets(%dma_start3A_363 : memref<128xi32, #tpu.memory_space<vmem>>) semaphore(%arg12 : memref<!tpu.dma_semaphore, #tpu.memory_space<semaphore_mem>>)
    %dma_start3A_367 = arith.constant 5760 : i32
    %dma_start3A_368 = arith.constant 0 : i32
    %dma_start3A_369 = tpu.memref_slice %arg9[%dma_start3A_367, %dma_start3A_368] : memref<6144x16xf32, #tpu.memory_space<vmem>> -> memref<128x16xf32, #tpu.memory_space<vmem>>
    %dma_start3A_370 = arith.constant 5760 : i32
    %dma_start3A_371 = tpu.memref_slice %arg8[%dma_start3A_370] : memref<6144xi32, #tpu.memory_space<vmem>> -> memref<128xi32, #tpu.memory_space<vmem>>
    %dma_start3A_372 = arith.constant 0 : i32
    %dma_start3A_373 = arith.constant 0 : i32
    %dma_start3A_374 = tpu.memref_slice %arg2[%dma_start3A_372, %dma_start3A_373] : memref<749952x16xf32, #tpu.memory_space<hbm>> -> memref<749952x16xf32, #tpu.memory_space<hbm>>
    tpu.enqueue_indirect_dma source(%dma_start3A_374 : memref<749952x16xf32, #tpu.memory_space<hbm>>) target(%dma_start3A_369 : memref<128x16xf32, #tpu.memory_space<vmem>>) offsets(%dma_start3A_371 : memref<128xi32, #tpu.memory_space<vmem>>) semaphore(%arg12 : memref<!tpu.dma_semaphore, #tpu.memory_space<semaphore_mem>>)
    %dma_start3A_375 = arith.constant 5888 : i32
    %dma_start3A_376 = arith.constant 0 : i32
    %dma_start3A_377 = tpu.memref_slice %arg9[%dma_start3A_375, %dma_start3A_376] : memref<6144x16xf32, #tpu.memory_space<vmem>> -> memref<128x16xf32, #tpu.memory_space<vmem>>
    %dma_start3A_378 = arith.constant 5888 : i32
    %dma_start3A_379 = tpu.memref_slice %arg8[%dma_start3A_378] : memref<6144xi32, #tpu.memory_space<vmem>> -> memref<128xi32, #tpu.memory_space<vmem>>
    %dma_start3A_380 = arith.constant 0 : i32
    %dma_start3A_381 = arith.constant 0 : i32
    %dma_start3A_382 = tpu.memref_slice %arg2[%dma_start3A_380, %dma_start3A_381] : memref<749952x16xf32, #tpu.memory_space<hbm>> -> memref<749952x16xf32, #tpu.memory_space<hbm>>
    tpu.enqueue_indirect_dma source(%dma_start3A_382 : memref<749952x16xf32, #tpu.memory_space<hbm>>) target(%dma_start3A_377 : memref<128x16xf32, #tpu.memory_space<vmem>>) offsets(%dma_start3A_379 : memref<128xi32, #tpu.memory_space<vmem>>) semaphore(%arg12 : memref<!tpu.dma_semaphore, #tpu.memory_space<semaphore_mem>>)
    %dma_start3A_383 = arith.constant 6016 : i32
    %dma_start3A_384 = arith.constant 0 : i32
    %dma_start3A_385 = tpu.memref_slice %arg9[%dma_start3A_383, %dma_start3A_384] : memref<6144x16xf32, #tpu.memory_space<vmem>> -> memref<128x16xf32, #tpu.memory_space<vmem>>
    %dma_start3A_386 = arith.constant 6016 : i32
    %dma_start3A_387 = tpu.memref_slice %arg8[%dma_start3A_386] : memref<6144xi32, #tpu.memory_space<vmem>> -> memref<128xi32, #tpu.memory_space<vmem>>
    %dma_start3A_388 = arith.constant 0 : i32
    %dma_start3A_389 = arith.constant 0 : i32
    %dma_start3A_390 = tpu.memref_slice %arg2[%dma_start3A_388, %dma_start3A_389] : memref<749952x16xf32, #tpu.memory_space<hbm>> -> memref<749952x16xf32, #tpu.memory_space<hbm>>
    tpu.enqueue_indirect_dma source(%dma_start3A_390 : memref<749952x16xf32, #tpu.memory_space<hbm>>) target(%dma_start3A_385 : memref<128x16xf32, #tpu.memory_space<vmem>>) offsets(%dma_start3A_387 : memref<128xi32, #tpu.memory_space<vmem>>) semaphore(%arg12 : memref<!tpu.dma_semaphore, #tpu.memory_space<semaphore_mem>>)
    %dma_wait3A = arith.constant 0 : i32
    %dma_wait3A_391 = arith.constant 0 : i32
    %dma_wait3A_392 = tpu.memref_slice %arg9[%dma_wait3A, %dma_wait3A_391] : memref<6144x16xf32, #tpu.memory_space<vmem>> -> memref<128x16xf32, #tpu.memory_space<vmem>>
    %dma_wait3A_393 = arith.constant 0 : i32
    %dma_wait3A_394 = tpu.memref_slice %arg8[%dma_wait3A_393] : memref<6144xi32, #tpu.memory_space<vmem>> -> memref<128xi32, #tpu.memory_space<vmem>>
    %dma_wait3A_395 = arith.constant 0 : i32
    %dma_wait3A_396 = arith.constant 0 : i32
    %dma_wait3A_397 = tpu.memref_slice %arg2[%dma_wait3A_395, %dma_wait3A_396] : memref<749952x16xf32, #tpu.memory_space<hbm>> -> memref<749952x16xf32, #tpu.memory_space<hbm>>
    tpu.wait_indirect_dma semaphore(%arg12 : memref<!tpu.dma_semaphore, #tpu.memory_space<semaphore_mem>>) src(%dma_wait3A_397 : memref<749952x16xf32, #tpu.memory_space<hbm>>) dst(%dma_wait3A_392 : memref<128x16xf32, #tpu.memory_space<vmem>>)
    %dma_wait3A_398 = arith.constant 128 : i32
    %dma_wait3A_399 = arith.constant 0 : i32
    %dma_wait3A_400 = tpu.memref_slice %arg9[%dma_wait3A_398, %dma_wait3A_399] : memref<6144x16xf32, #tpu.memory_space<vmem>> -> memref<128x16xf32, #tpu.memory_space<vmem>>
    %dma_wait3A_401 = arith.constant 128 : i32
    %dma_wait3A_402 = tpu.memref_slice %arg8[%dma_wait3A_401] : memref<6144xi32, #tpu.memory_space<vmem>> -> memref<128xi32, #tpu.memory_space<vmem>>
    %dma_wait3A_403 = arith.constant 0 : i32
    %dma_wait3A_404 = arith.constant 0 : i32
    %dma_wait3A_405 = tpu.memref_slice %arg2[%dma_wait3A_403, %dma_wait3A_404] : memref<749952x16xf32, #tpu.memory_space<hbm>> -> memref<749952x16xf32, #tpu.memory_space<hbm>>
    tpu.wait_indirect_dma semaphore(%arg12 : memref<!tpu.dma_semaphore, #tpu.memory_space<semaphore_mem>>) src(%dma_wait3A_405 : memref<749952x16xf32, #tpu.memory_space<hbm>>) dst(%dma_wait3A_400 : memref<128x16xf32, #tpu.memory_space<vmem>>)
    %dma_wait3A_406 = arith.constant 256 : i32
    %dma_wait3A_407 = arith.constant 0 : i32
    %dma_wait3A_408 = tpu.memref_slice %arg9[%dma_wait3A_406, %dma_wait3A_407] : memref<6144x16xf32, #tpu.memory_space<vmem>> -> memref<128x16xf32, #tpu.memory_space<vmem>>
    %dma_wait3A_409 = arith.constant 256 : i32
    %dma_wait3A_410 = tpu.memref_slice %arg8[%dma_wait3A_409] : memref<6144xi32, #tpu.memory_space<vmem>> -> memref<128xi32, #tpu.memory_space<vmem>>
    %dma_wait3A_411 = arith.constant 0 : i32
    %dma_wait3A_412 = arith.constant 0 : i32
    %dma_wait3A_413 = tpu.memref_slice %arg2[%dma_wait3A_411, %dma_wait3A_412] : memref<749952x16xf32, #tpu.memory_space<hbm>> -> memref<749952x16xf32, #tpu.memory_space<hbm>>
    tpu.wait_indirect_dma semaphore(%arg12 : memref<!tpu.dma_semaphore, #tpu.memory_space<semaphore_mem>>) src(%dma_wait3A_413 : memref<749952x16xf32, #tpu.memory_space<hbm>>) dst(%dma_wait3A_408 : memref<128x16xf32, #tpu.memory_space<vmem>>)
    %dma_wait3A_414 = arith.constant 384 : i32
    %dma_wait3A_415 = arith.constant 0 : i32
    %dma_wait3A_416 = tpu.memref_slice %arg9[%dma_wait3A_414, %dma_wait3A_415] : memref<6144x16xf32, #tpu.memory_space<vmem>> -> memref<128x16xf32, #tpu.memory_space<vmem>>
    %dma_wait3A_417 = arith.constant 384 : i32
    %dma_wait3A_418 = tpu.memref_slice %arg8[%dma_wait3A_417] : memref<6144xi32, #tpu.memory_space<vmem>> -> memref<128xi32, #tpu.memory_space<vmem>>
    %dma_wait3A_419 = arith.constant 0 : i32
    %dma_wait3A_420 = arith.constant 0 : i32
    %dma_wait3A_421 = tpu.memref_slice %arg2[%dma_wait3A_419, %dma_wait3A_420] : memref<749952x16xf32, #tpu.memory_space<hbm>> -> memref<749952x16xf32, #tpu.memory_space<hbm>>
    tpu.wait_indirect_dma semaphore(%arg12 : memref<!tpu.dma_semaphore, #tpu.memory_space<semaphore_mem>>) src(%dma_wait3A_421 : memref<749952x16xf32, #tpu.memory_space<hbm>>) dst(%dma_wait3A_416 : memref<128x16xf32, #tpu.memory_space<vmem>>)
    %dma_wait3A_422 = arith.constant 512 : i32
    %dma_wait3A_423 = arith.constant 0 : i32
    %dma_wait3A_424 = tpu.memref_slice %arg9[%dma_wait3A_422, %dma_wait3A_423] : memref<6144x16xf32, #tpu.memory_space<vmem>> -> memref<128x16xf32, #tpu.memory_space<vmem>>
    %dma_wait3A_425 = arith.constant 512 : i32
    %dma_wait3A_426 = tpu.memref_slice %arg8[%dma_wait3A_425] : memref<6144xi32, #tpu.memory_space<vmem>> -> memref<128xi32, #tpu.memory_space<vmem>>
    %dma_wait3A_427 = arith.constant 0 : i32
    %dma_wait3A_428 = arith.constant 0 : i32
    %dma_wait3A_429 = tpu.memref_slice %arg2[%dma_wait3A_427, %dma_wait3A_428] : memref<749952x16xf32, #tpu.memory_space<hbm>> -> memref<749952x16xf32, #tpu.memory_space<hbm>>
    tpu.wait_indirect_dma semaphore(%arg12 : memref<!tpu.dma_semaphore, #tpu.memory_space<semaphore_mem>>) src(%dma_wait3A_429 : memref<749952x16xf32, #tpu.memory_space<hbm>>) dst(%dma_wait3A_424 : memref<128x16xf32, #tpu.memory_space<vmem>>)
    %dma_wait3A_430 = arith.constant 640 : i32
    %dma_wait3A_431 = arith.constant 0 : i32
    %dma_wait3A_432 = tpu.memref_slice %arg9[%dma_wait3A_430, %dma_wait3A_431] : memref<6144x16xf32, #tpu.memory_space<vmem>> -> memref<128x16xf32, #tpu.memory_space<vmem>>
    %dma_wait3A_433 = arith.constant 640 : i32
    %dma_wait3A_434 = tpu.memref_slice %arg8[%dma_wait3A_433] : memref<6144xi32, #tpu.memory_space<vmem>> -> memref<128xi32, #tpu.memory_space<vmem>>
    %dma_wait3A_435 = arith.constant 0 : i32
    %dma_wait3A_436 = arith.constant 0 : i32
    %dma_wait3A_437 = tpu.memref_slice %arg2[%dma_wait3A_435, %dma_wait3A_436] : memref<749952x16xf32, #tpu.memory_space<hbm>> -> memref<749952x16xf32, #tpu.memory_space<hbm>>
    tpu.wait_indirect_dma semaphore(%arg12 : memref<!tpu.dma_semaphore, #tpu.memory_space<semaphore_mem>>) src(%dma_wait3A_437 : memref<749952x16xf32, #tpu.memory_space<hbm>>) dst(%dma_wait3A_432 : memref<128x16xf32, #tpu.memory_space<vmem>>)
    %dma_wait3A_438 = arith.constant 768 : i32
    %dma_wait3A_439 = arith.constant 0 : i32
    %dma_wait3A_440 = tpu.memref_slice %arg9[%dma_wait3A_438, %dma_wait3A_439] : memref<6144x16xf32, #tpu.memory_space<vmem>> -> memref<128x16xf32, #tpu.memory_space<vmem>>
    %dma_wait3A_441 = arith.constant 768 : i32
    %dma_wait3A_442 = tpu.memref_slice %arg8[%dma_wait3A_441] : memref<6144xi32, #tpu.memory_space<vmem>> -> memref<128xi32, #tpu.memory_space<vmem>>
    %dma_wait3A_443 = arith.constant 0 : i32
    %dma_wait3A_444 = arith.constant 0 : i32
    %dma_wait3A_445 = tpu.memref_slice %arg2[%dma_wait3A_443, %dma_wait3A_444] : memref<749952x16xf32, #tpu.memory_space<hbm>> -> memref<749952x16xf32, #tpu.memory_space<hbm>>
    tpu.wait_indirect_dma semaphore(%arg12 : memref<!tpu.dma_semaphore, #tpu.memory_space<semaphore_mem>>) src(%dma_wait3A_445 : memref<749952x16xf32, #tpu.memory_space<hbm>>) dst(%dma_wait3A_440 : memref<128x16xf32, #tpu.memory_space<vmem>>)
    %dma_wait3A_446 = arith.constant 896 : i32
    %dma_wait3A_447 = arith.constant 0 : i32
    %dma_wait3A_448 = tpu.memref_slice %arg9[%dma_wait3A_446, %dma_wait3A_447] : memref<6144x16xf32, #tpu.memory_space<vmem>> -> memref<128x16xf32, #tpu.memory_space<vmem>>
    %dma_wait3A_449 = arith.constant 896 : i32
    %dma_wait3A_450 = tpu.memref_slice %arg8[%dma_wait3A_449] : memref<6144xi32, #tpu.memory_space<vmem>> -> memref<128xi32, #tpu.memory_space<vmem>>
    %dma_wait3A_451 = arith.constant 0 : i32
    %dma_wait3A_452 = arith.constant 0 : i32
    %dma_wait3A_453 = tpu.memref_slice %arg2[%dma_wait3A_451, %dma_wait3A_452] : memref<749952x16xf32, #tpu.memory_space<hbm>> -> memref<749952x16xf32, #tpu.memory_space<hbm>>
    tpu.wait_indirect_dma semaphore(%arg12 : memref<!tpu.dma_semaphore, #tpu.memory_space<semaphore_mem>>) src(%dma_wait3A_453 : memref<749952x16xf32, #tpu.memory_space<hbm>>) dst(%dma_wait3A_448 : memref<128x16xf32, #tpu.memory_space<vmem>>)
    %dma_wait3A_454 = arith.constant 1024 : i32
    %dma_wait3A_455 = arith.constant 0 : i32
    %dma_wait3A_456 = tpu.memref_slice %arg9[%dma_wait3A_454, %dma_wait3A_455] : memref<6144x16xf32, #tpu.memory_space<vmem>> -> memref<128x16xf32, #tpu.memory_space<vmem>>
    %dma_wait3A_457 = arith.constant 1024 : i32
    %dma_wait3A_458 = tpu.memref_slice %arg8[%dma_wait3A_457] : memref<6144xi32, #tpu.memory_space<vmem>> -> memref<128xi32, #tpu.memory_space<vmem>>
    %dma_wait3A_459 = arith.constant 0 : i32
    %dma_wait3A_460 = arith.constant 0 : i32
    %dma_wait3A_461 = tpu.memref_slice %arg2[%dma_wait3A_459, %dma_wait3A_460] : memref<749952x16xf32, #tpu.memory_space<hbm>> -> memref<749952x16xf32, #tpu.memory_space<hbm>>
    tpu.wait_indirect_dma semaphore(%arg12 : memref<!tpu.dma_semaphore, #tpu.memory_space<semaphore_mem>>) src(%dma_wait3A_461 : memref<749952x16xf32, #tpu.memory_space<hbm>>) dst(%dma_wait3A_456 : memref<128x16xf32, #tpu.memory_space<vmem>>)
    %dma_wait3A_462 = arith.constant 1152 : i32
    %dma_wait3A_463 = arith.constant 0 : i32
    %dma_wait3A_464 = tpu.memref_slice %arg9[%dma_wait3A_462, %dma_wait3A_463] : memref<6144x16xf32, #tpu.memory_space<vmem>> -> memref<128x16xf32, #tpu.memory_space<vmem>>
    %dma_wait3A_465 = arith.constant 1152 : i32
    %dma_wait3A_466 = tpu.memref_slice %arg8[%dma_wait3A_465] : memref<6144xi32, #tpu.memory_space<vmem>> -> memref<128xi32, #tpu.memory_space<vmem>>
    %dma_wait3A_467 = arith.constant 0 : i32
    %dma_wait3A_468 = arith.constant 0 : i32
    %dma_wait3A_469 = tpu.memref_slice %arg2[%dma_wait3A_467, %dma_wait3A_468] : memref<749952x16xf32, #tpu.memory_space<hbm>> -> memref<749952x16xf32, #tpu.memory_space<hbm>>
    tpu.wait_indirect_dma semaphore(%arg12 : memref<!tpu.dma_semaphore, #tpu.memory_space<semaphore_mem>>) src(%dma_wait3A_469 : memref<749952x16xf32, #tpu.memory_space<hbm>>) dst(%dma_wait3A_464 : memref<128x16xf32, #tpu.memory_space<vmem>>)
    %dma_wait3A_470 = arith.constant 1280 : i32
    %dma_wait3A_471 = arith.constant 0 : i32
    %dma_wait3A_472 = tpu.memref_slice %arg9[%dma_wait3A_470, %dma_wait3A_471] : memref<6144x16xf32, #tpu.memory_space<vmem>> -> memref<128x16xf32, #tpu.memory_space<vmem>>
    %dma_wait3A_473 = arith.constant 1280 : i32
    %dma_wait3A_474 = tpu.memref_slice %arg8[%dma_wait3A_473] : memref<6144xi32, #tpu.memory_space<vmem>> -> memref<128xi32, #tpu.memory_space<vmem>>
    %dma_wait3A_475 = arith.constant 0 : i32
    %dma_wait3A_476 = arith.constant 0 : i32
    %dma_wait3A_477 = tpu.memref_slice %arg2[%dma_wait3A_475, %dma_wait3A_476] : memref<749952x16xf32, #tpu.memory_space<hbm>> -> memref<749952x16xf32, #tpu.memory_space<hbm>>
    tpu.wait_indirect_dma semaphore(%arg12 : memref<!tpu.dma_semaphore, #tpu.memory_space<semaphore_mem>>) src(%dma_wait3A_477 : memref<749952x16xf32, #tpu.memory_space<hbm>>) dst(%dma_wait3A_472 : memref<128x16xf32, #tpu.memory_space<vmem>>)
    %dma_wait3A_478 = arith.constant 1408 : i32
    %dma_wait3A_479 = arith.constant 0 : i32
    %dma_wait3A_480 = tpu.memref_slice %arg9[%dma_wait3A_478, %dma_wait3A_479] : memref<6144x16xf32, #tpu.memory_space<vmem>> -> memref<128x16xf32, #tpu.memory_space<vmem>>
    %dma_wait3A_481 = arith.constant 1408 : i32
    %dma_wait3A_482 = tpu.memref_slice %arg8[%dma_wait3A_481] : memref<6144xi32, #tpu.memory_space<vmem>> -> memref<128xi32, #tpu.memory_space<vmem>>
    %dma_wait3A_483 = arith.constant 0 : i32
    %dma_wait3A_484 = arith.constant 0 : i32
    %dma_wait3A_485 = tpu.memref_slice %arg2[%dma_wait3A_483, %dma_wait3A_484] : memref<749952x16xf32, #tpu.memory_space<hbm>> -> memref<749952x16xf32, #tpu.memory_space<hbm>>
    tpu.wait_indirect_dma semaphore(%arg12 : memref<!tpu.dma_semaphore, #tpu.memory_space<semaphore_mem>>) src(%dma_wait3A_485 : memref<749952x16xf32, #tpu.memory_space<hbm>>) dst(%dma_wait3A_480 : memref<128x16xf32, #tpu.memory_space<vmem>>)
    %dma_wait3A_486 = arith.constant 1536 : i32
    %dma_wait3A_487 = arith.constant 0 : i32
    %dma_wait3A_488 = tpu.memref_slice %arg9[%dma_wait3A_486, %dma_wait3A_487] : memref<6144x16xf32, #tpu.memory_space<vmem>> -> memref<128x16xf32, #tpu.memory_space<vmem>>
    %dma_wait3A_489 = arith.constant 1536 : i32
    %dma_wait3A_490 = tpu.memref_slice %arg8[%dma_wait3A_489] : memref<6144xi32, #tpu.memory_space<vmem>> -> memref<128xi32, #tpu.memory_space<vmem>>
    %dma_wait3A_491 = arith.constant 0 : i32
    %dma_wait3A_492 = arith.constant 0 : i32
    %dma_wait3A_493 = tpu.memref_slice %arg2[%dma_wait3A_491, %dma_wait3A_492] : memref<749952x16xf32, #tpu.memory_space<hbm>> -> memref<749952x16xf32, #tpu.memory_space<hbm>>
    tpu.wait_indirect_dma semaphore(%arg12 : memref<!tpu.dma_semaphore, #tpu.memory_space<semaphore_mem>>) src(%dma_wait3A_493 : memref<749952x16xf32, #tpu.memory_space<hbm>>) dst(%dma_wait3A_488 : memref<128x16xf32, #tpu.memory_space<vmem>>)
    %dma_wait3A_494 = arith.constant 1664 : i32
    %dma_wait3A_495 = arith.constant 0 : i32
    %dma_wait3A_496 = tpu.memref_slice %arg9[%dma_wait3A_494, %dma_wait3A_495] : memref<6144x16xf32, #tpu.memory_space<vmem>> -> memref<128x16xf32, #tpu.memory_space<vmem>>
    %dma_wait3A_497 = arith.constant 1664 : i32
    %dma_wait3A_498 = tpu.memref_slice %arg8[%dma_wait3A_497] : memref<6144xi32, #tpu.memory_space<vmem>> -> memref<128xi32, #tpu.memory_space<vmem>>
    %dma_wait3A_499 = arith.constant 0 : i32
    %dma_wait3A_500 = arith.constant 0 : i32
    %dma_wait3A_501 = tpu.memref_slice %arg2[%dma_wait3A_499, %dma_wait3A_500] : memref<749952x16xf32, #tpu.memory_space<hbm>> -> memref<749952x16xf32, #tpu.memory_space<hbm>>
    tpu.wait_indirect_dma semaphore(%arg12 : memref<!tpu.dma_semaphore, #tpu.memory_space<semaphore_mem>>) src(%dma_wait3A_501 : memref<749952x16xf32, #tpu.memory_space<hbm>>) dst(%dma_wait3A_496 : memref<128x16xf32, #tpu.memory_space<vmem>>)
    %dma_wait3A_502 = arith.constant 1792 : i32
    %dma_wait3A_503 = arith.constant 0 : i32
    %dma_wait3A_504 = tpu.memref_slice %arg9[%dma_wait3A_502, %dma_wait3A_503] : memref<6144x16xf32, #tpu.memory_space<vmem>> -> memref<128x16xf32, #tpu.memory_space<vmem>>
    %dma_wait3A_505 = arith.constant 1792 : i32
    %dma_wait3A_506 = tpu.memref_slice %arg8[%dma_wait3A_505] : memref<6144xi32, #tpu.memory_space<vmem>> -> memref<128xi32, #tpu.memory_space<vmem>>
    %dma_wait3A_507 = arith.constant 0 : i32
    %dma_wait3A_508 = arith.constant 0 : i32
    %dma_wait3A_509 = tpu.memref_slice %arg2[%dma_wait3A_507, %dma_wait3A_508] : memref<749952x16xf32, #tpu.memory_space<hbm>> -> memref<749952x16xf32, #tpu.memory_space<hbm>>
    tpu.wait_indirect_dma semaphore(%arg12 : memref<!tpu.dma_semaphore, #tpu.memory_space<semaphore_mem>>) src(%dma_wait3A_509 : memref<749952x16xf32, #tpu.memory_space<hbm>>) dst(%dma_wait3A_504 : memref<128x16xf32, #tpu.memory_space<vmem>>)
    %dma_wait3A_510 = arith.constant 1920 : i32
    %dma_wait3A_511 = arith.constant 0 : i32
    %dma_wait3A_512 = tpu.memref_slice %arg9[%dma_wait3A_510, %dma_wait3A_511] : memref<6144x16xf32, #tpu.memory_space<vmem>> -> memref<128x16xf32, #tpu.memory_space<vmem>>
    %dma_wait3A_513 = arith.constant 1920 : i32
    %dma_wait3A_514 = tpu.memref_slice %arg8[%dma_wait3A_513] : memref<6144xi32, #tpu.memory_space<vmem>> -> memref<128xi32, #tpu.memory_space<vmem>>
    %dma_wait3A_515 = arith.constant 0 : i32
    %dma_wait3A_516 = arith.constant 0 : i32
    %dma_wait3A_517 = tpu.memref_slice %arg2[%dma_wait3A_515, %dma_wait3A_516] : memref<749952x16xf32, #tpu.memory_space<hbm>> -> memref<749952x16xf32, #tpu.memory_space<hbm>>
    tpu.wait_indirect_dma semaphore(%arg12 : memref<!tpu.dma_semaphore, #tpu.memory_space<semaphore_mem>>) src(%dma_wait3A_517 : memref<749952x16xf32, #tpu.memory_space<hbm>>) dst(%dma_wait3A_512 : memref<128x16xf32, #tpu.memory_space<vmem>>)
    %dma_wait3A_518 = arith.constant 2048 : i32
    %dma_wait3A_519 = arith.constant 0 : i32
    %dma_wait3A_520 = tpu.memref_slice %arg9[%dma_wait3A_518, %dma_wait3A_519] : memref<6144x16xf32, #tpu.memory_space<vmem>> -> memref<128x16xf32, #tpu.memory_space<vmem>>
    %dma_wait3A_521 = arith.constant 2048 : i32
    %dma_wait3A_522 = tpu.memref_slice %arg8[%dma_wait3A_521] : memref<6144xi32, #tpu.memory_space<vmem>> -> memref<128xi32, #tpu.memory_space<vmem>>
    %dma_wait3A_523 = arith.constant 0 : i32
    %dma_wait3A_524 = arith.constant 0 : i32
    %dma_wait3A_525 = tpu.memref_slice %arg2[%dma_wait3A_523, %dma_wait3A_524] : memref<749952x16xf32, #tpu.memory_space<hbm>> -> memref<749952x16xf32, #tpu.memory_space<hbm>>
    tpu.wait_indirect_dma semaphore(%arg12 : memref<!tpu.dma_semaphore, #tpu.memory_space<semaphore_mem>>) src(%dma_wait3A_525 : memref<749952x16xf32, #tpu.memory_space<hbm>>) dst(%dma_wait3A_520 : memref<128x16xf32, #tpu.memory_space<vmem>>)
    %dma_wait3A_526 = arith.constant 2176 : i32
    %dma_wait3A_527 = arith.constant 0 : i32
    %dma_wait3A_528 = tpu.memref_slice %arg9[%dma_wait3A_526, %dma_wait3A_527] : memref<6144x16xf32, #tpu.memory_space<vmem>> -> memref<128x16xf32, #tpu.memory_space<vmem>>
    %dma_wait3A_529 = arith.constant 2176 : i32
    %dma_wait3A_530 = tpu.memref_slice %arg8[%dma_wait3A_529] : memref<6144xi32, #tpu.memory_space<vmem>> -> memref<128xi32, #tpu.memory_space<vmem>>
    %dma_wait3A_531 = arith.constant 0 : i32
    %dma_wait3A_532 = arith.constant 0 : i32
    %dma_wait3A_533 = tpu.memref_slice %arg2[%dma_wait3A_531, %dma_wait3A_532] : memref<749952x16xf32, #tpu.memory_space<hbm>> -> memref<749952x16xf32, #tpu.memory_space<hbm>>
    tpu.wait_indirect_dma semaphore(%arg12 : memref<!tpu.dma_semaphore, #tpu.memory_space<semaphore_mem>>) src(%dma_wait3A_533 : memref<749952x16xf32, #tpu.memory_space<hbm>>) dst(%dma_wait3A_528 : memref<128x16xf32, #tpu.memory_space<vmem>>)
    %dma_wait3A_534 = arith.constant 2304 : i32
    %dma_wait3A_535 = arith.constant 0 : i32
    %dma_wait3A_536 = tpu.memref_slice %arg9[%dma_wait3A_534, %dma_wait3A_535] : memref<6144x16xf32, #tpu.memory_space<vmem>> -> memref<128x16xf32, #tpu.memory_space<vmem>>
    %dma_wait3A_537 = arith.constant 2304 : i32
    %dma_wait3A_538 = tpu.memref_slice %arg8[%dma_wait3A_537] : memref<6144xi32, #tpu.memory_space<vmem>> -> memref<128xi32, #tpu.memory_space<vmem>>
    %dma_wait3A_539 = arith.constant 0 : i32
    %dma_wait3A_540 = arith.constant 0 : i32
    %dma_wait3A_541 = tpu.memref_slice %arg2[%dma_wait3A_539, %dma_wait3A_540] : memref<749952x16xf32, #tpu.memory_space<hbm>> -> memref<749952x16xf32, #tpu.memory_space<hbm>>
    tpu.wait_indirect_dma semaphore(%arg12 : memref<!tpu.dma_semaphore, #tpu.memory_space<semaphore_mem>>) src(%dma_wait3A_541 : memref<749952x16xf32, #tpu.memory_space<hbm>>) dst(%dma_wait3A_536 : memref<128x16xf32, #tpu.memory_space<vmem>>)
    %dma_wait3A_542 = arith.constant 2432 : i32
    %dma_wait3A_543 = arith.constant 0 : i32
    %dma_wait3A_544 = tpu.memref_slice %arg9[%dma_wait3A_542, %dma_wait3A_543] : memref<6144x16xf32, #tpu.memory_space<vmem>> -> memref<128x16xf32, #tpu.memory_space<vmem>>
    %dma_wait3A_545 = arith.constant 2432 : i32
    %dma_wait3A_546 = tpu.memref_slice %arg8[%dma_wait3A_545] : memref<6144xi32, #tpu.memory_space<vmem>> -> memref<128xi32, #tpu.memory_space<vmem>>
    %dma_wait3A_547 = arith.constant 0 : i32
    %dma_wait3A_548 = arith.constant 0 : i32
    %dma_wait3A_549 = tpu.memref_slice %arg2[%dma_wait3A_547, %dma_wait3A_548] : memref<749952x16xf32, #tpu.memory_space<hbm>> -> memref<749952x16xf32, #tpu.memory_space<hbm>>
    tpu.wait_indirect_dma semaphore(%arg12 : memref<!tpu.dma_semaphore, #tpu.memory_space<semaphore_mem>>) src(%dma_wait3A_549 : memref<749952x16xf32, #tpu.memory_space<hbm>>) dst(%dma_wait3A_544 : memref<128x16xf32, #tpu.memory_space<vmem>>)
    %dma_wait3A_550 = arith.constant 2560 : i32
    %dma_wait3A_551 = arith.constant 0 : i32
    %dma_wait3A_552 = tpu.memref_slice %arg9[%dma_wait3A_550, %dma_wait3A_551] : memref<6144x16xf32, #tpu.memory_space<vmem>> -> memref<128x16xf32, #tpu.memory_space<vmem>>
    %dma_wait3A_553 = arith.constant 2560 : i32
    %dma_wait3A_554 = tpu.memref_slice %arg8[%dma_wait3A_553] : memref<6144xi32, #tpu.memory_space<vmem>> -> memref<128xi32, #tpu.memory_space<vmem>>
    %dma_wait3A_555 = arith.constant 0 : i32
    %dma_wait3A_556 = arith.constant 0 : i32
    %dma_wait3A_557 = tpu.memref_slice %arg2[%dma_wait3A_555, %dma_wait3A_556] : memref<749952x16xf32, #tpu.memory_space<hbm>> -> memref<749952x16xf32, #tpu.memory_space<hbm>>
    tpu.wait_indirect_dma semaphore(%arg12 : memref<!tpu.dma_semaphore, #tpu.memory_space<semaphore_mem>>) src(%dma_wait3A_557 : memref<749952x16xf32, #tpu.memory_space<hbm>>) dst(%dma_wait3A_552 : memref<128x16xf32, #tpu.memory_space<vmem>>)
    %dma_wait3A_558 = arith.constant 2688 : i32
    %dma_wait3A_559 = arith.constant 0 : i32
    %dma_wait3A_560 = tpu.memref_slice %arg9[%dma_wait3A_558, %dma_wait3A_559] : memref<6144x16xf32, #tpu.memory_space<vmem>> -> memref<128x16xf32, #tpu.memory_space<vmem>>
    %dma_wait3A_561 = arith.constant 2688 : i32
    %dma_wait3A_562 = tpu.memref_slice %arg8[%dma_wait3A_561] : memref<6144xi32, #tpu.memory_space<vmem>> -> memref<128xi32, #tpu.memory_space<vmem>>
    %dma_wait3A_563 = arith.constant 0 : i32
    %dma_wait3A_564 = arith.constant 0 : i32
    %dma_wait3A_565 = tpu.memref_slice %arg2[%dma_wait3A_563, %dma_wait3A_564] : memref<749952x16xf32, #tpu.memory_space<hbm>> -> memref<749952x16xf32, #tpu.memory_space<hbm>>
    tpu.wait_indirect_dma semaphore(%arg12 : memref<!tpu.dma_semaphore, #tpu.memory_space<semaphore_mem>>) src(%dma_wait3A_565 : memref<749952x16xf32, #tpu.memory_space<hbm>>) dst(%dma_wait3A_560 : memref<128x16xf32, #tpu.memory_space<vmem>>)
    %dma_wait3A_566 = arith.constant 2816 : i32
    %dma_wait3A_567 = arith.constant 0 : i32
    %dma_wait3A_568 = tpu.memref_slice %arg9[%dma_wait3A_566, %dma_wait3A_567] : memref<6144x16xf32, #tpu.memory_space<vmem>> -> memref<128x16xf32, #tpu.memory_space<vmem>>
    %dma_wait3A_569 = arith.constant 2816 : i32
    %dma_wait3A_570 = tpu.memref_slice %arg8[%dma_wait3A_569] : memref<6144xi32, #tpu.memory_space<vmem>> -> memref<128xi32, #tpu.memory_space<vmem>>
    %dma_wait3A_571 = arith.constant 0 : i32
    %dma_wait3A_572 = arith.constant 0 : i32
    %dma_wait3A_573 = tpu.memref_slice %arg2[%dma_wait3A_571, %dma_wait3A_572] : memref<749952x16xf32, #tpu.memory_space<hbm>> -> memref<749952x16xf32, #tpu.memory_space<hbm>>
    tpu.wait_indirect_dma semaphore(%arg12 : memref<!tpu.dma_semaphore, #tpu.memory_space<semaphore_mem>>) src(%dma_wait3A_573 : memref<749952x16xf32, #tpu.memory_space<hbm>>) dst(%dma_wait3A_568 : memref<128x16xf32, #tpu.memory_space<vmem>>)
    %dma_wait3A_574 = arith.constant 2944 : i32
    %dma_wait3A_575 = arith.constant 0 : i32
    %dma_wait3A_576 = tpu.memref_slice %arg9[%dma_wait3A_574, %dma_wait3A_575] : memref<6144x16xf32, #tpu.memory_space<vmem>> -> memref<128x16xf32, #tpu.memory_space<vmem>>
    %dma_wait3A_577 = arith.constant 2944 : i32
    %dma_wait3A_578 = tpu.memref_slice %arg8[%dma_wait3A_577] : memref<6144xi32, #tpu.memory_space<vmem>> -> memref<128xi32, #tpu.memory_space<vmem>>
    %dma_wait3A_579 = arith.constant 0 : i32
    %dma_wait3A_580 = arith.constant 0 : i32
    %dma_wait3A_581 = tpu.memref_slice %arg2[%dma_wait3A_579, %dma_wait3A_580] : memref<749952x16xf32, #tpu.memory_space<hbm>> -> memref<749952x16xf32, #tpu.memory_space<hbm>>
    tpu.wait_indirect_dma semaphore(%arg12 : memref<!tpu.dma_semaphore, #tpu.memory_space<semaphore_mem>>) src(%dma_wait3A_581 : memref<749952x16xf32, #tpu.memory_space<hbm>>) dst(%dma_wait3A_576 : memref<128x16xf32, #tpu.memory_space<vmem>>)
    %dma_wait3A_582 = arith.constant 3072 : i32
    %dma_wait3A_583 = arith.constant 0 : i32
    %dma_wait3A_584 = tpu.memref_slice %arg9[%dma_wait3A_582, %dma_wait3A_583] : memref<6144x16xf32, #tpu.memory_space<vmem>> -> memref<128x16xf32, #tpu.memory_space<vmem>>
    %dma_wait3A_585 = arith.constant 3072 : i32
    %dma_wait3A_586 = tpu.memref_slice %arg8[%dma_wait3A_585] : memref<6144xi32, #tpu.memory_space<vmem>> -> memref<128xi32, #tpu.memory_space<vmem>>
    %dma_wait3A_587 = arith.constant 0 : i32
    %dma_wait3A_588 = arith.constant 0 : i32
    %dma_wait3A_589 = tpu.memref_slice %arg2[%dma_wait3A_587, %dma_wait3A_588] : memref<749952x16xf32, #tpu.memory_space<hbm>> -> memref<749952x16xf32, #tpu.memory_space<hbm>>
    tpu.wait_indirect_dma semaphore(%arg12 : memref<!tpu.dma_semaphore, #tpu.memory_space<semaphore_mem>>) src(%dma_wait3A_589 : memref<749952x16xf32, #tpu.memory_space<hbm>>) dst(%dma_wait3A_584 : memref<128x16xf32, #tpu.memory_space<vmem>>)
    %dma_wait3A_590 = arith.constant 3200 : i32
    %dma_wait3A_591 = arith.constant 0 : i32
    %dma_wait3A_592 = tpu.memref_slice %arg9[%dma_wait3A_590, %dma_wait3A_591] : memref<6144x16xf32, #tpu.memory_space<vmem>> -> memref<128x16xf32, #tpu.memory_space<vmem>>
    %dma_wait3A_593 = arith.constant 3200 : i32
    %dma_wait3A_594 = tpu.memref_slice %arg8[%dma_wait3A_593] : memref<6144xi32, #tpu.memory_space<vmem>> -> memref<128xi32, #tpu.memory_space<vmem>>
    %dma_wait3A_595 = arith.constant 0 : i32
    %dma_wait3A_596 = arith.constant 0 : i32
    %dma_wait3A_597 = tpu.memref_slice %arg2[%dma_wait3A_595, %dma_wait3A_596] : memref<749952x16xf32, #tpu.memory_space<hbm>> -> memref<749952x16xf32, #tpu.memory_space<hbm>>
    tpu.wait_indirect_dma semaphore(%arg12 : memref<!tpu.dma_semaphore, #tpu.memory_space<semaphore_mem>>) src(%dma_wait3A_597 : memref<749952x16xf32, #tpu.memory_space<hbm>>) dst(%dma_wait3A_592 : memref<128x16xf32, #tpu.memory_space<vmem>>)
    %dma_wait3A_598 = arith.constant 3328 : i32
    %dma_wait3A_599 = arith.constant 0 : i32
    %dma_wait3A_600 = tpu.memref_slice %arg9[%dma_wait3A_598, %dma_wait3A_599] : memref<6144x16xf32, #tpu.memory_space<vmem>> -> memref<128x16xf32, #tpu.memory_space<vmem>>
    %dma_wait3A_601 = arith.constant 3328 : i32
    %dma_wait3A_602 = tpu.memref_slice %arg8[%dma_wait3A_601] : memref<6144xi32, #tpu.memory_space<vmem>> -> memref<128xi32, #tpu.memory_space<vmem>>
    %dma_wait3A_603 = arith.constant 0 : i32
    %dma_wait3A_604 = arith.constant 0 : i32
    %dma_wait3A_605 = tpu.memref_slice %arg2[%dma_wait3A_603, %dma_wait3A_604] : memref<749952x16xf32, #tpu.memory_space<hbm>> -> memref<749952x16xf32, #tpu.memory_space<hbm>>
    tpu.wait_indirect_dma semaphore(%arg12 : memref<!tpu.dma_semaphore, #tpu.memory_space<semaphore_mem>>) src(%dma_wait3A_605 : memref<749952x16xf32, #tpu.memory_space<hbm>>) dst(%dma_wait3A_600 : memref<128x16xf32, #tpu.memory_space<vmem>>)
    %dma_wait3A_606 = arith.constant 3456 : i32
    %dma_wait3A_607 = arith.constant 0 : i32
    %dma_wait3A_608 = tpu.memref_slice %arg9[%dma_wait3A_606, %dma_wait3A_607] : memref<6144x16xf32, #tpu.memory_space<vmem>> -> memref<128x16xf32, #tpu.memory_space<vmem>>
    %dma_wait3A_609 = arith.constant 3456 : i32
    %dma_wait3A_610 = tpu.memref_slice %arg8[%dma_wait3A_609] : memref<6144xi32, #tpu.memory_space<vmem>> -> memref<128xi32, #tpu.memory_space<vmem>>
    %dma_wait3A_611 = arith.constant 0 : i32
    %dma_wait3A_612 = arith.constant 0 : i32
    %dma_wait3A_613 = tpu.memref_slice %arg2[%dma_wait3A_611, %dma_wait3A_612] : memref<749952x16xf32, #tpu.memory_space<hbm>> -> memref<749952x16xf32, #tpu.memory_space<hbm>>
    tpu.wait_indirect_dma semaphore(%arg12 : memref<!tpu.dma_semaphore, #tpu.memory_space<semaphore_mem>>) src(%dma_wait3A_613 : memref<749952x16xf32, #tpu.memory_space<hbm>>) dst(%dma_wait3A_608 : memref<128x16xf32, #tpu.memory_space<vmem>>)
    %dma_wait3A_614 = arith.constant 3584 : i32
    %dma_wait3A_615 = arith.constant 0 : i32
    %dma_wait3A_616 = tpu.memref_slice %arg9[%dma_wait3A_614, %dma_wait3A_615] : memref<6144x16xf32, #tpu.memory_space<vmem>> -> memref<128x16xf32, #tpu.memory_space<vmem>>
    %dma_wait3A_617 = arith.constant 3584 : i32
    %dma_wait3A_618 = tpu.memref_slice %arg8[%dma_wait3A_617] : memref<6144xi32, #tpu.memory_space<vmem>> -> memref<128xi32, #tpu.memory_space<vmem>>
    %dma_wait3A_619 = arith.constant 0 : i32
    %dma_wait3A_620 = arith.constant 0 : i32
    %dma_wait3A_621 = tpu.memref_slice %arg2[%dma_wait3A_619, %dma_wait3A_620] : memref<749952x16xf32, #tpu.memory_space<hbm>> -> memref<749952x16xf32, #tpu.memory_space<hbm>>
    tpu.wait_indirect_dma semaphore(%arg12 : memref<!tpu.dma_semaphore, #tpu.memory_space<semaphore_mem>>) src(%dma_wait3A_621 : memref<749952x16xf32, #tpu.memory_space<hbm>>) dst(%dma_wait3A_616 : memref<128x16xf32, #tpu.memory_space<vmem>>)
    %dma_wait3A_622 = arith.constant 3712 : i32
    %dma_wait3A_623 = arith.constant 0 : i32
    %dma_wait3A_624 = tpu.memref_slice %arg9[%dma_wait3A_622, %dma_wait3A_623] : memref<6144x16xf32, #tpu.memory_space<vmem>> -> memref<128x16xf32, #tpu.memory_space<vmem>>
    %dma_wait3A_625 = arith.constant 3712 : i32
    %dma_wait3A_626 = tpu.memref_slice %arg8[%dma_wait3A_625] : memref<6144xi32, #tpu.memory_space<vmem>> -> memref<128xi32, #tpu.memory_space<vmem>>
    %dma_wait3A_627 = arith.constant 0 : i32
    %dma_wait3A_628 = arith.constant 0 : i32
    %dma_wait3A_629 = tpu.memref_slice %arg2[%dma_wait3A_627, %dma_wait3A_628] : memref<749952x16xf32, #tpu.memory_space<hbm>> -> memref<749952x16xf32, #tpu.memory_space<hbm>>
    tpu.wait_indirect_dma semaphore(%arg12 : memref<!tpu.dma_semaphore, #tpu.memory_space<semaphore_mem>>) src(%dma_wait3A_629 : memref<749952x16xf32, #tpu.memory_space<hbm>>) dst(%dma_wait3A_624 : memref<128x16xf32, #tpu.memory_space<vmem>>)
    %dma_wait3A_630 = arith.constant 3840 : i32
    %dma_wait3A_631 = arith.constant 0 : i32
    %dma_wait3A_632 = tpu.memref_slice %arg9[%dma_wait3A_630, %dma_wait3A_631] : memref<6144x16xf32, #tpu.memory_space<vmem>> -> memref<128x16xf32, #tpu.memory_space<vmem>>
    %dma_wait3A_633 = arith.constant 3840 : i32
    %dma_wait3A_634 = tpu.memref_slice %arg8[%dma_wait3A_633] : memref<6144xi32, #tpu.memory_space<vmem>> -> memref<128xi32, #tpu.memory_space<vmem>>
    %dma_wait3A_635 = arith.constant 0 : i32
    %dma_wait3A_636 = arith.constant 0 : i32
    %dma_wait3A_637 = tpu.memref_slice %arg2[%dma_wait3A_635, %dma_wait3A_636] : memref<749952x16xf32, #tpu.memory_space<hbm>> -> memref<749952x16xf32, #tpu.memory_space<hbm>>
    tpu.wait_indirect_dma semaphore(%arg12 : memref<!tpu.dma_semaphore, #tpu.memory_space<semaphore_mem>>) src(%dma_wait3A_637 : memref<749952x16xf32, #tpu.memory_space<hbm>>) dst(%dma_wait3A_632 : memref<128x16xf32, #tpu.memory_space<vmem>>)
    %dma_wait3A_638 = arith.constant 3968 : i32
    %dma_wait3A_639 = arith.constant 0 : i32
    %dma_wait3A_640 = tpu.memref_slice %arg9[%dma_wait3A_638, %dma_wait3A_639] : memref<6144x16xf32, #tpu.memory_space<vmem>> -> memref<128x16xf32, #tpu.memory_space<vmem>>
    %dma_wait3A_641 = arith.constant 3968 : i32
    %dma_wait3A_642 = tpu.memref_slice %arg8[%dma_wait3A_641] : memref<6144xi32, #tpu.memory_space<vmem>> -> memref<128xi32, #tpu.memory_space<vmem>>
    %dma_wait3A_643 = arith.constant 0 : i32
    %dma_wait3A_644 = arith.constant 0 : i32
    %dma_wait3A_645 = tpu.memref_slice %arg2[%dma_wait3A_643, %dma_wait3A_644] : memref<749952x16xf32, #tpu.memory_space<hbm>> -> memref<749952x16xf32, #tpu.memory_space<hbm>>
    tpu.wait_indirect_dma semaphore(%arg12 : memref<!tpu.dma_semaphore, #tpu.memory_space<semaphore_mem>>) src(%dma_wait3A_645 : memref<749952x16xf32, #tpu.memory_space<hbm>>) dst(%dma_wait3A_640 : memref<128x16xf32, #tpu.memory_space<vmem>>)
    %dma_wait3A_646 = arith.constant 4096 : i32
    %dma_wait3A_647 = arith.constant 0 : i32
    %dma_wait3A_648 = tpu.memref_slice %arg9[%dma_wait3A_646, %dma_wait3A_647] : memref<6144x16xf32, #tpu.memory_space<vmem>> -> memref<128x16xf32, #tpu.memory_space<vmem>>
    %dma_wait3A_649 = arith.constant 4096 : i32
    %dma_wait3A_650 = tpu.memref_slice %arg8[%dma_wait3A_649] : memref<6144xi32, #tpu.memory_space<vmem>> -> memref<128xi32, #tpu.memory_space<vmem>>
    %dma_wait3A_651 = arith.constant 0 : i32
    %dma_wait3A_652 = arith.constant 0 : i32
    %dma_wait3A_653 = tpu.memref_slice %arg2[%dma_wait3A_651, %dma_wait3A_652] : memref<749952x16xf32, #tpu.memory_space<hbm>> -> memref<749952x16xf32, #tpu.memory_space<hbm>>
    tpu.wait_indirect_dma semaphore(%arg12 : memref<!tpu.dma_semaphore, #tpu.memory_space<semaphore_mem>>) src(%dma_wait3A_653 : memref<749952x16xf32, #tpu.memory_space<hbm>>) dst(%dma_wait3A_648 : memref<128x16xf32, #tpu.memory_space<vmem>>)
    %dma_wait3A_654 = arith.constant 4224 : i32
    %dma_wait3A_655 = arith.constant 0 : i32
    %dma_wait3A_656 = tpu.memref_slice %arg9[%dma_wait3A_654, %dma_wait3A_655] : memref<6144x16xf32, #tpu.memory_space<vmem>> -> memref<128x16xf32, #tpu.memory_space<vmem>>
    %dma_wait3A_657 = arith.constant 4224 : i32
    %dma_wait3A_658 = tpu.memref_slice %arg8[%dma_wait3A_657] : memref<6144xi32, #tpu.memory_space<vmem>> -> memref<128xi32, #tpu.memory_space<vmem>>
    %dma_wait3A_659 = arith.constant 0 : i32
    %dma_wait3A_660 = arith.constant 0 : i32
    %dma_wait3A_661 = tpu.memref_slice %arg2[%dma_wait3A_659, %dma_wait3A_660] : memref<749952x16xf32, #tpu.memory_space<hbm>> -> memref<749952x16xf32, #tpu.memory_space<hbm>>
    tpu.wait_indirect_dma semaphore(%arg12 : memref<!tpu.dma_semaphore, #tpu.memory_space<semaphore_mem>>) src(%dma_wait3A_661 : memref<749952x16xf32, #tpu.memory_space<hbm>>) dst(%dma_wait3A_656 : memref<128x16xf32, #tpu.memory_space<vmem>>)
    %dma_wait3A_662 = arith.constant 4352 : i32
    %dma_wait3A_663 = arith.constant 0 : i32
    %dma_wait3A_664 = tpu.memref_slice %arg9[%dma_wait3A_662, %dma_wait3A_663] : memref<6144x16xf32, #tpu.memory_space<vmem>> -> memref<128x16xf32, #tpu.memory_space<vmem>>
    %dma_wait3A_665 = arith.constant 4352 : i32
    %dma_wait3A_666 = tpu.memref_slice %arg8[%dma_wait3A_665] : memref<6144xi32, #tpu.memory_space<vmem>> -> memref<128xi32, #tpu.memory_space<vmem>>
    %dma_wait3A_667 = arith.constant 0 : i32
    %dma_wait3A_668 = arith.constant 0 : i32
    %dma_wait3A_669 = tpu.memref_slice %arg2[%dma_wait3A_667, %dma_wait3A_668] : memref<749952x16xf32, #tpu.memory_space<hbm>> -> memref<749952x16xf32, #tpu.memory_space<hbm>>
    tpu.wait_indirect_dma semaphore(%arg12 : memref<!tpu.dma_semaphore, #tpu.memory_space<semaphore_mem>>) src(%dma_wait3A_669 : memref<749952x16xf32, #tpu.memory_space<hbm>>) dst(%dma_wait3A_664 : memref<128x16xf32, #tpu.memory_space<vmem>>)
    %dma_wait3A_670 = arith.constant 4480 : i32
    %dma_wait3A_671 = arith.constant 0 : i32
    %dma_wait3A_672 = tpu.memref_slice %arg9[%dma_wait3A_670, %dma_wait3A_671] : memref<6144x16xf32, #tpu.memory_space<vmem>> -> memref<128x16xf32, #tpu.memory_space<vmem>>
    %dma_wait3A_673 = arith.constant 4480 : i32
    %dma_wait3A_674 = tpu.memref_slice %arg8[%dma_wait3A_673] : memref<6144xi32, #tpu.memory_space<vmem>> -> memref<128xi32, #tpu.memory_space<vmem>>
    %dma_wait3A_675 = arith.constant 0 : i32
    %dma_wait3A_676 = arith.constant 0 : i32
    %dma_wait3A_677 = tpu.memref_slice %arg2[%dma_wait3A_675, %dma_wait3A_676] : memref<749952x16xf32, #tpu.memory_space<hbm>> -> memref<749952x16xf32, #tpu.memory_space<hbm>>
    tpu.wait_indirect_dma semaphore(%arg12 : memref<!tpu.dma_semaphore, #tpu.memory_space<semaphore_mem>>) src(%dma_wait3A_677 : memref<749952x16xf32, #tpu.memory_space<hbm>>) dst(%dma_wait3A_672 : memref<128x16xf32, #tpu.memory_space<vmem>>)
    %dma_wait3A_678 = arith.constant 4608 : i32
    %dma_wait3A_679 = arith.constant 0 : i32
    %dma_wait3A_680 = tpu.memref_slice %arg9[%dma_wait3A_678, %dma_wait3A_679] : memref<6144x16xf32, #tpu.memory_space<vmem>> -> memref<128x16xf32, #tpu.memory_space<vmem>>
    %dma_wait3A_681 = arith.constant 4608 : i32
    %dma_wait3A_682 = tpu.memref_slice %arg8[%dma_wait3A_681] : memref<6144xi32, #tpu.memory_space<vmem>> -> memref<128xi32, #tpu.memory_space<vmem>>
    %dma_wait3A_683 = arith.constant 0 : i32
    %dma_wait3A_684 = arith.constant 0 : i32
    %dma_wait3A_685 = tpu.memref_slice %arg2[%dma_wait3A_683, %dma_wait3A_684] : memref<749952x16xf32, #tpu.memory_space<hbm>> -> memref<749952x16xf32, #tpu.memory_space<hbm>>
    tpu.wait_indirect_dma semaphore(%arg12 : memref<!tpu.dma_semaphore, #tpu.memory_space<semaphore_mem>>) src(%dma_wait3A_685 : memref<749952x16xf32, #tpu.memory_space<hbm>>) dst(%dma_wait3A_680 : memref<128x16xf32, #tpu.memory_space<vmem>>)
    %dma_wait3A_686 = arith.constant 4736 : i32
    %dma_wait3A_687 = arith.constant 0 : i32
    %dma_wait3A_688 = tpu.memref_slice %arg9[%dma_wait3A_686, %dma_wait3A_687] : memref<6144x16xf32, #tpu.memory_space<vmem>> -> memref<128x16xf32, #tpu.memory_space<vmem>>
    %dma_wait3A_689 = arith.constant 4736 : i32
    %dma_wait3A_690 = tpu.memref_slice %arg8[%dma_wait3A_689] : memref<6144xi32, #tpu.memory_space<vmem>> -> memref<128xi32, #tpu.memory_space<vmem>>
    %dma_wait3A_691 = arith.constant 0 : i32
    %dma_wait3A_692 = arith.constant 0 : i32
    %dma_wait3A_693 = tpu.memref_slice %arg2[%dma_wait3A_691, %dma_wait3A_692] : memref<749952x16xf32, #tpu.memory_space<hbm>> -> memref<749952x16xf32, #tpu.memory_space<hbm>>
    tpu.wait_indirect_dma semaphore(%arg12 : memref<!tpu.dma_semaphore, #tpu.memory_space<semaphore_mem>>) src(%dma_wait3A_693 : memref<749952x16xf32, #tpu.memory_space<hbm>>) dst(%dma_wait3A_688 : memref<128x16xf32, #tpu.memory_space<vmem>>)
    %dma_wait3A_694 = arith.constant 4864 : i32
    %dma_wait3A_695 = arith.constant 0 : i32
    %dma_wait3A_696 = tpu.memref_slice %arg9[%dma_wait3A_694, %dma_wait3A_695] : memref<6144x16xf32, #tpu.memory_space<vmem>> -> memref<128x16xf32, #tpu.memory_space<vmem>>
    %dma_wait3A_697 = arith.constant 4864 : i32
    %dma_wait3A_698 = tpu.memref_slice %arg8[%dma_wait3A_697] : memref<6144xi32, #tpu.memory_space<vmem>> -> memref<128xi32, #tpu.memory_space<vmem>>
    %dma_wait3A_699 = arith.constant 0 : i32
    %dma_wait3A_700 = arith.constant 0 : i32
    %dma_wait3A_701 = tpu.memref_slice %arg2[%dma_wait3A_699, %dma_wait3A_700] : memref<749952x16xf32, #tpu.memory_space<hbm>> -> memref<749952x16xf32, #tpu.memory_space<hbm>>
    tpu.wait_indirect_dma semaphore(%arg12 : memref<!tpu.dma_semaphore, #tpu.memory_space<semaphore_mem>>) src(%dma_wait3A_701 : memref<749952x16xf32, #tpu.memory_space<hbm>>) dst(%dma_wait3A_696 : memref<128x16xf32, #tpu.memory_space<vmem>>)
    %dma_wait3A_702 = arith.constant 4992 : i32
    %dma_wait3A_703 = arith.constant 0 : i32
    %dma_wait3A_704 = tpu.memref_slice %arg9[%dma_wait3A_702, %dma_wait3A_703] : memref<6144x16xf32, #tpu.memory_space<vmem>> -> memref<128x16xf32, #tpu.memory_space<vmem>>
    %dma_wait3A_705 = arith.constant 4992 : i32
    %dma_wait3A_706 = tpu.memref_slice %arg8[%dma_wait3A_705] : memref<6144xi32, #tpu.memory_space<vmem>> -> memref<128xi32, #tpu.memory_space<vmem>>
    %dma_wait3A_707 = arith.constant 0 : i32
    %dma_wait3A_708 = arith.constant 0 : i32
    %dma_wait3A_709 = tpu.memref_slice %arg2[%dma_wait3A_707, %dma_wait3A_708] : memref<749952x16xf32, #tpu.memory_space<hbm>> -> memref<749952x16xf32, #tpu.memory_space<hbm>>
    tpu.wait_indirect_dma semaphore(%arg12 : memref<!tpu.dma_semaphore, #tpu.memory_space<semaphore_mem>>) src(%dma_wait3A_709 : memref<749952x16xf32, #tpu.memory_space<hbm>>) dst(%dma_wait3A_704 : memref<128x16xf32, #tpu.memory_space<vmem>>)
    %dma_wait3A_710 = arith.constant 5120 : i32
    %dma_wait3A_711 = arith.constant 0 : i32
    %dma_wait3A_712 = tpu.memref_slice %arg9[%dma_wait3A_710, %dma_wait3A_711] : memref<6144x16xf32, #tpu.memory_space<vmem>> -> memref<128x16xf32, #tpu.memory_space<vmem>>
    %dma_wait3A_713 = arith.constant 5120 : i32
    %dma_wait3A_714 = tpu.memref_slice %arg8[%dma_wait3A_713] : memref<6144xi32, #tpu.memory_space<vmem>> -> memref<128xi32, #tpu.memory_space<vmem>>
    %dma_wait3A_715 = arith.constant 0 : i32
    %dma_wait3A_716 = arith.constant 0 : i32
    %dma_wait3A_717 = tpu.memref_slice %arg2[%dma_wait3A_715, %dma_wait3A_716] : memref<749952x16xf32, #tpu.memory_space<hbm>> -> memref<749952x16xf32, #tpu.memory_space<hbm>>
    tpu.wait_indirect_dma semaphore(%arg12 : memref<!tpu.dma_semaphore, #tpu.memory_space<semaphore_mem>>) src(%dma_wait3A_717 : memref<749952x16xf32, #tpu.memory_space<hbm>>) dst(%dma_wait3A_712 : memref<128x16xf32, #tpu.memory_space<vmem>>)
    %dma_wait3A_718 = arith.constant 5248 : i32
    %dma_wait3A_719 = arith.constant 0 : i32
    %dma_wait3A_720 = tpu.memref_slice %arg9[%dma_wait3A_718, %dma_wait3A_719] : memref<6144x16xf32, #tpu.memory_space<vmem>> -> memref<128x16xf32, #tpu.memory_space<vmem>>
    %dma_wait3A_721 = arith.constant 5248 : i32
    %dma_wait3A_722 = tpu.memref_slice %arg8[%dma_wait3A_721] : memref<6144xi32, #tpu.memory_space<vmem>> -> memref<128xi32, #tpu.memory_space<vmem>>
    %dma_wait3A_723 = arith.constant 0 : i32
    %dma_wait3A_724 = arith.constant 0 : i32
    %dma_wait3A_725 = tpu.memref_slice %arg2[%dma_wait3A_723, %dma_wait3A_724] : memref<749952x16xf32, #tpu.memory_space<hbm>> -> memref<749952x16xf32, #tpu.memory_space<hbm>>
    tpu.wait_indirect_dma semaphore(%arg12 : memref<!tpu.dma_semaphore, #tpu.memory_space<semaphore_mem>>) src(%dma_wait3A_725 : memref<749952x16xf32, #tpu.memory_space<hbm>>) dst(%dma_wait3A_720 : memref<128x16xf32, #tpu.memory_space<vmem>>)
    %dma_wait3A_726 = arith.constant 5376 : i32
    %dma_wait3A_727 = arith.constant 0 : i32
    %dma_wait3A_728 = tpu.memref_slice %arg9[%dma_wait3A_726, %dma_wait3A_727] : memref<6144x16xf32, #tpu.memory_space<vmem>> -> memref<128x16xf32, #tpu.memory_space<vmem>>
    %dma_wait3A_729 = arith.constant 5376 : i32
    %dma_wait3A_730 = tpu.memref_slice %arg8[%dma_wait3A_729] : memref<6144xi32, #tpu.memory_space<vmem>> -> memref<128xi32, #tpu.memory_space<vmem>>
    %dma_wait3A_731 = arith.constant 0 : i32
    %dma_wait3A_732 = arith.constant 0 : i32
    %dma_wait3A_733 = tpu.memref_slice %arg2[%dma_wait3A_731, %dma_wait3A_732] : memref<749952x16xf32, #tpu.memory_space<hbm>> -> memref<749952x16xf32, #tpu.memory_space<hbm>>
    tpu.wait_indirect_dma semaphore(%arg12 : memref<!tpu.dma_semaphore, #tpu.memory_space<semaphore_mem>>) src(%dma_wait3A_733 : memref<749952x16xf32, #tpu.memory_space<hbm>>) dst(%dma_wait3A_728 : memref<128x16xf32, #tpu.memory_space<vmem>>)
    %dma_wait3A_734 = arith.constant 5504 : i32
    %dma_wait3A_735 = arith.constant 0 : i32
    %dma_wait3A_736 = tpu.memref_slice %arg9[%dma_wait3A_734, %dma_wait3A_735] : memref<6144x16xf32, #tpu.memory_space<vmem>> -> memref<128x16xf32, #tpu.memory_space<vmem>>
    %dma_wait3A_737 = arith.constant 5504 : i32
    %dma_wait3A_738 = tpu.memref_slice %arg8[%dma_wait3A_737] : memref<6144xi32, #tpu.memory_space<vmem>> -> memref<128xi32, #tpu.memory_space<vmem>>
    %dma_wait3A_739 = arith.constant 0 : i32
    %dma_wait3A_740 = arith.constant 0 : i32
    %dma_wait3A_741 = tpu.memref_slice %arg2[%dma_wait3A_739, %dma_wait3A_740] : memref<749952x16xf32, #tpu.memory_space<hbm>> -> memref<749952x16xf32, #tpu.memory_space<hbm>>
    tpu.wait_indirect_dma semaphore(%arg12 : memref<!tpu.dma_semaphore, #tpu.memory_space<semaphore_mem>>) src(%dma_wait3A_741 : memref<749952x16xf32, #tpu.memory_space<hbm>>) dst(%dma_wait3A_736 : memref<128x16xf32, #tpu.memory_space<vmem>>)
    %dma_wait3A_742 = arith.constant 5632 : i32
    %dma_wait3A_743 = arith.constant 0 : i32
    %dma_wait3A_744 = tpu.memref_slice %arg9[%dma_wait3A_742, %dma_wait3A_743] : memref<6144x16xf32, #tpu.memory_space<vmem>> -> memref<128x16xf32, #tpu.memory_space<vmem>>
    %dma_wait3A_745 = arith.constant 5632 : i32
    %dma_wait3A_746 = tpu.memref_slice %arg8[%dma_wait3A_745] : memref<6144xi32, #tpu.memory_space<vmem>> -> memref<128xi32, #tpu.memory_space<vmem>>
    %dma_wait3A_747 = arith.constant 0 : i32
    %dma_wait3A_748 = arith.constant 0 : i32
    %dma_wait3A_749 = tpu.memref_slice %arg2[%dma_wait3A_747, %dma_wait3A_748] : memref<749952x16xf32, #tpu.memory_space<hbm>> -> memref<749952x16xf32, #tpu.memory_space<hbm>>
    tpu.wait_indirect_dma semaphore(%arg12 : memref<!tpu.dma_semaphore, #tpu.memory_space<semaphore_mem>>) src(%dma_wait3A_749 : memref<749952x16xf32, #tpu.memory_space<hbm>>) dst(%dma_wait3A_744 : memref<128x16xf32, #tpu.memory_space<vmem>>)
    %dma_wait3A_750 = arith.constant 5760 : i32
    %dma_wait3A_751 = arith.constant 0 : i32
    %dma_wait3A_752 = tpu.memref_slice %arg9[%dma_wait3A_750, %dma_wait3A_751] : memref<6144x16xf32, #tpu.memory_space<vmem>> -> memref<128x16xf32, #tpu.memory_space<vmem>>
    %dma_wait3A_753 = arith.constant 5760 : i32
    %dma_wait3A_754 = tpu.memref_slice %arg8[%dma_wait3A_753] : memref<6144xi32, #tpu.memory_space<vmem>> -> memref<128xi32, #tpu.memory_space<vmem>>
    %dma_wait3A_755 = arith.constant 0 : i32
    %dma_wait3A_756 = arith.constant 0 : i32
    %dma_wait3A_757 = tpu.memref_slice %arg2[%dma_wait3A_755, %dma_wait3A_756] : memref<749952x16xf32, #tpu.memory_space<hbm>> -> memref<749952x16xf32, #tpu.memory_space<hbm>>
    tpu.wait_indirect_dma semaphore(%arg12 : memref<!tpu.dma_semaphore, #tpu.memory_space<semaphore_mem>>) src(%dma_wait3A_757 : memref<749952x16xf32, #tpu.memory_space<hbm>>) dst(%dma_wait3A_752 : memref<128x16xf32, #tpu.memory_space<vmem>>)
    %dma_wait3A_758 = arith.constant 5888 : i32
    %dma_wait3A_759 = arith.constant 0 : i32
    %dma_wait3A_760 = tpu.memref_slice %arg9[%dma_wait3A_758, %dma_wait3A_759] : memref<6144x16xf32, #tpu.memory_space<vmem>> -> memref<128x16xf32, #tpu.memory_space<vmem>>
    %dma_wait3A_761 = arith.constant 5888 : i32
    %dma_wait3A_762 = tpu.memref_slice %arg8[%dma_wait3A_761] : memref<6144xi32, #tpu.memory_space<vmem>> -> memref<128xi32, #tpu.memory_space<vmem>>
    %dma_wait3A_763 = arith.constant 0 : i32
    %dma_wait3A_764 = arith.constant 0 : i32
    %dma_wait3A_765 = tpu.memref_slice %arg2[%dma_wait3A_763, %dma_wait3A_764] : memref<749952x16xf32, #tpu.memory_space<hbm>> -> memref<749952x16xf32, #tpu.memory_space<hbm>>
    tpu.wait_indirect_dma semaphore(%arg12 : memref<!tpu.dma_semaphore, #tpu.memory_space<semaphore_mem>>) src(%dma_wait3A_765 : memref<749952x16xf32, #tpu.memory_space<hbm>>) dst(%dma_wait3A_760 : memref<128x16xf32, #tpu.memory_space<vmem>>)
    %dma_wait3A_766 = arith.constant 6016 : i32
    %dma_wait3A_767 = arith.constant 0 : i32
    %dma_wait3A_768 = tpu.memref_slice %arg9[%dma_wait3A_766, %dma_wait3A_767] : memref<6144x16xf32, #tpu.memory_space<vmem>> -> memref<128x16xf32, #tpu.memory_space<vmem>>
    %dma_wait3A_769 = arith.constant 6016 : i32
    %dma_wait3A_770 = tpu.memref_slice %arg8[%dma_wait3A_769] : memref<6144xi32, #tpu.memory_space<vmem>> -> memref<128xi32, #tpu.memory_space<vmem>>
    %dma_wait3A_771 = arith.constant 0 : i32
    %dma_wait3A_772 = arith.constant 0 : i32
    %dma_wait3A_773 = tpu.memref_slice %arg2[%dma_wait3A_771, %dma_wait3A_772] : memref<749952x16xf32, #tpu.memory_space<hbm>> -> memref<749952x16xf32, #tpu.memory_space<hbm>>
    tpu.wait_indirect_dma semaphore(%arg12 : memref<!tpu.dma_semaphore, #tpu.memory_space<semaphore_mem>>) src(%dma_wait3A_773 : memref<749952x16xf32, #tpu.memory_space<hbm>>) dst(%dma_wait3A_768 : memref<128x16xf32, #tpu.memory_space<vmem>>)
    %iota3A = tpu.iota {dimensions = array<i32: 0>} : vector<16xi32>
    %scan3A_774 = arith.constant 0 : i32
    %scan3A_775 = arith.constant 0 : i32
    %scan3A_776 = arith.constant 32 : i32
    %scan3A_777 = arith.addi %scan3A_775, %scan3A_776 : i32
    %scan3A_778 = arith.constant 1 : i32
    scf.for %scan3A_787 = %scan3A_775 to %scan3A_777 step %scan3A_778  : i32 {
      %shift_right_arithmetic3A = arith.constant 3 : i32
      %shift_right_arithmetic3A_788 = arith.shrsi %scan3A_787, %shift_right_arithmetic3A : i32
      %and3A = arith.constant 7 : i32
      %and3A_789 = arith.andi %scan3A_787, %and3A : i32
      %mul3A_790 = arith.constant 16 : i32
      %mul3A_791 = arith.muli %scan3A_787, %mul3A_790 : i32
      %get3A = arith.index_cast %mul3A_791 : i32 to index
      %get3A_792 = tpu.vector_load %arg7[%get3A] {strides = array<i32>} : memref<512xi32, #tpu.memory_space<vmem>>, vector<16xi32>,
      %mul3A_793 = arith.constant 16 : i32
      %mul3A_794 = arith.muli %scan3A_787, %mul3A_793 : i32
      %add3A_795 = vector.broadcast %mul3A_794 : i32 to vector<16xi32>
      %add3A_796 = arith.addi %add3A_795, %iota3A : vector<16xi32>
      %mul3A_797 = arith.constant 16 : i32
      %mul3A_798 = arith.muli %scan3A_787, %mul3A_797 : i32
      %get3A_799 = arith.index_cast %mul3A_798 : i32 to index
      %get3A_800 = tpu.vector_load %arg6[%get3A_799] {strides = array<i32>} : memref<512xi32, #tpu.memory_space<vmem>>, vector<16xi32>,
      %ge3A = arith.constant 999936 : i32
      %ge3A_801 = vector.broadcast %ge3A : i32 to vector<16xi32>
      %ge3A_802 = arith.cmpi sge, %get3A_800, %ge3A_801 : vector<16xi32>
      %sub3A = arith.constant 999936 : i32
      %sub3A_803 = vector.broadcast %sub3A : i32 to vector<16xi32>
      %sub3A_804 = arith.subi %get3A_800, %sub3A_803 : vector<16xi32>
      %jit3A = arith.constant 0 : i32
      %broadcast_in_dim3A = vector.broadcast %jit3A : i32 to vector<16xi32>
      %select_n3A = arith.select %ge3A_802, %sub3A_804, %broadcast_in_dim3A : vector<16xi1>, vector<16xi32>
      %add3A_805 = arith.constant 0 : i32
      %add3A_806 = vector.broadcast %add3A_805 : i32 to vector<16xi32>
      %add3A_807 = arith.addi %add3A_806, %add3A_796 : vector<16xi32>
      %gather3A = tpu.vector_load_idx %arg9[%add3A_807, %get3A_792] : memref<6144x16xf32, #tpu.memory_space<vmem>>[vector<16xi32>, vector<16xi32>], vector<16xf32>,
      %add3A_808 = arith.constant 0 : i32
      %add3A_809 = vector.broadcast %add3A_808 : i32 to vector<16xi32>
      %add3A_810 = arith.addi %add3A_809, %select_n3A : vector<16xi32>
      %gather3A_811 = tpu.vector_load_idx %arg11[%add3A_810] : memref<768xf32, #tpu.memory_space<vmem>>[vector<16xi32>], vector<16xf32>,
      %select_n3A_812 = arith.select %ge3A_802, %gather3A_811, %gather3A : vector<16xi1>, vector<16xf32>
      %mul3A_813 = arith.constant 16 : i32
      %mul3A_814 = arith.muli %and3A_789, %mul3A_813 : i32
      %swap3A = arith.constant 0 : i32
      %swap3A_815 = arith.constant 0 : i32
      %swap3A_816 = arith.index_cast %swap3A : i32 to index
      %swap3A_817 = arith.index_cast %shift_right_arithmetic3A_788 : i32 to index
      %swap3A_818 = arith.index_cast %swap3A_815 : i32 to index
      %swap3A_819 = arith.index_cast %mul3A_814 : i32 to index
      %swap3A_820 = tpu.vector_load %arg10[%swap3A_816, %swap3A_817, %swap3A_818, %swap3A_819] {strides = array<i32>} : memref<3x4x4x128xf32, #tpu.memory_space<vmem>>, vector<16xf32>,
      tpu.vector_store %arg10[%swap3A_816, %swap3A_817, %swap3A_818, %swap3A_819], %select_n3A_812 {strides = array<i32>} : memref<3x4x4x128xf32, #tpu.memory_space<vmem>>, vector<16xf32>,
      %add3A_821 = arith.constant 512 : i32
      %add3A_822 = vector.broadcast %add3A_821 : i32 to vector<16xi32>
      %add3A_823 = arith.addi %add3A_822, %add3A_796 : vector<16xi32>
      %gather3A_824 = tpu.vector_load_idx %arg9[%add3A_823, %get3A_792] : memref<6144x16xf32, #tpu.memory_space<vmem>>[vector<16xi32>, vector<16xi32>], vector<16xf32>,
      %add3A_825 = arith.constant 64 : i32
      %add3A_826 = vector.broadcast %add3A_825 : i32 to vector<16xi32>
      %add3A_827 = arith.addi %add3A_826, %select_n3A : vector<16xi32>
      %gather3A_828 = tpu.vector_load_idx %arg11[%add3A_827] : memref<768xf32, #tpu.memory_space<vmem>>[vector<16xi32>], vector<16xf32>,
      %select_n3A_829 = arith.select %ge3A_802, %gather3A_828, %gather3A_824 : vector<16xi1>, vector<16xf32>
      %mul3A_830 = arith.constant 16 : i32
      %mul3A_831 = arith.muli %and3A_789, %mul3A_830 : i32
      %swap3A_832 = arith.constant 0 : i32
      %swap3A_833 = arith.constant 1 : i32
      %swap3A_834 = arith.index_cast %swap3A_832 : i32 to index
      %swap3A_835 = arith.index_cast %shift_right_arithmetic3A_788 : i32 to index
      %swap3A_836 = arith.index_cast %swap3A_833 : i32 to index
      %swap3A_837 = arith.index_cast %mul3A_831 : i32 to index
      %swap3A_838 = tpu.vector_load %arg10[%swap3A_834, %swap3A_835, %swap3A_836, %swap3A_837] {strides = array<i32>} : memref<3x4x4x128xf32, #tpu.memory_space<vmem>>, vector<16xf32>,
      tpu.vector_store %arg10[%swap3A_834, %swap3A_835, %swap3A_836, %swap3A_837], %select_n3A_829 {strides = array<i32>} : memref<3x4x4x128xf32, #tpu.memory_space<vmem>>, vector<16xf32>,
      %add3A_839 = arith.constant 1024 : i32
      %add3A_840 = vector.broadcast %add3A_839 : i32 to vector<16xi32>
      %add3A_841 = arith.addi %add3A_840, %add3A_796 : vector<16xi32>
      %gather3A_842 = tpu.vector_load_idx %arg9[%add3A_841, %get3A_792] : memref<6144x16xf32, #tpu.memory_space<vmem>>[vector<16xi32>, vector<16xi32>], vector<16xf32>,
      %add3A_843 = arith.constant 128 : i32
      %add3A_844 = vector.broadcast %add3A_843 : i32 to vector<16xi32>
      %add3A_845 = arith.addi %add3A_844, %select_n3A : vector<16xi32>
      %gather3A_846 = tpu.vector_load_idx %arg11[%add3A_845] : memref<768xf32, #tpu.memory_space<vmem>>[vector<16xi32>], vector<16xf32>,
      %select_n3A_847 = arith.select %ge3A_802, %gather3A_846, %gather3A_842 : vector<16xi1>, vector<16xf32>
      %mul3A_848 = arith.constant 16 : i32
      %mul3A_849 = arith.muli %and3A_789, %mul3A_848 : i32
      %swap3A_850 = arith.constant 0 : i32
      %swap3A_851 = arith.constant 2 : i32
      %swap3A_852 = arith.index_cast %swap3A_850 : i32 to index
      %swap3A_853 = arith.index_cast %shift_right_arithmetic3A_788 : i32 to index
      %swap3A_854 = arith.index_cast %swap3A_851 : i32 to index
      %swap3A_855 = arith.index_cast %mul3A_849 : i32 to index
      %swap3A_856 = tpu.vector_load %arg10[%swap3A_852, %swap3A_853, %swap3A_854, %swap3A_855] {strides = array<i32>} : memref<3x4x4x128xf32, #tpu.memory_space<vmem>>, vector<16xf32>,
      tpu.vector_store %arg10[%swap3A_852, %swap3A_853, %swap3A_854, %swap3A_855], %select_n3A_847 {strides = array<i32>} : memref<3x4x4x128xf32, #tpu.memory_space<vmem>>, vector<16xf32>,
      %add3A_857 = arith.constant 1536 : i32
      %add3A_858 = vector.broadcast %add3A_857 : i32 to vector<16xi32>
      %add3A_859 = arith.addi %add3A_858, %add3A_796 : vector<16xi32>
      %gather3A_860 = tpu.vector_load_idx %arg9[%add3A_859, %get3A_792] : memref<6144x16xf32, #tpu.memory_space<vmem>>[vector<16xi32>, vector<16xi32>], vector<16xf32>,
      %add3A_861 = arith.constant 192 : i32
      %add3A_862 = vector.broadcast %add3A_861 : i32 to vector<16xi32>
      %add3A_863 = arith.addi %add3A_862, %select_n3A : vector<16xi32>
      %gather3A_864 = tpu.vector_load_idx %arg11[%add3A_863] : memref<768xf32, #tpu.memory_space<vmem>>[vector<16xi32>], vector<16xf32>,
      %select_n3A_865 = arith.select %ge3A_802, %gather3A_864, %gather3A_860 : vector<16xi1>, vector<16xf32>
      %mul3A_866 = arith.constant 16 : i32
      %mul3A_867 = arith.muli %and3A_789, %mul3A_866 : i32
      %swap3A_868 = arith.constant 0 : i32
      %swap3A_869 = arith.constant 3 : i32
      %swap3A_870 = arith.index_cast %swap3A_868 : i32 to index
      %swap3A_871 = arith.index_cast %shift_right_arithmetic3A_788 : i32 to index
      %swap3A_872 = arith.index_cast %swap3A_869 : i32 to index
      %swap3A_873 = arith.index_cast %mul3A_867 : i32 to index
      %swap3A_874 = tpu.vector_load %arg10[%swap3A_870, %swap3A_871, %swap3A_872, %swap3A_873] {strides = array<i32>} : memref<3x4x4x128xf32, #tpu.memory_space<vmem>>, vector<16xf32>,
      tpu.vector_store %arg10[%swap3A_870, %swap3A_871, %swap3A_872, %swap3A_873], %select_n3A_865 {strides = array<i32>} : memref<3x4x4x128xf32, #tpu.memory_space<vmem>>, vector<16xf32>,
      %add3A_875 = arith.constant 2048 : i32
      %add3A_876 = vector.broadcast %add3A_875 : i32 to vector<16xi32>
      %add3A_877 = arith.addi %add3A_876, %add3A_796 : vector<16xi32>
      %gather3A_878 = tpu.vector_load_idx %arg9[%add3A_877, %get3A_792] : memref<6144x16xf32, #tpu.memory_space<vmem>>[vector<16xi32>, vector<16xi32>], vector<16xf32>,
      %add3A_879 = arith.constant 256 : i32
      %add3A_880 = vector.broadcast %add3A_879 : i32 to vector<16xi32>
      %add3A_881 = arith.addi %add3A_880, %select_n3A : vector<16xi32>
      %gather3A_882 = tpu.vector_load_idx %arg11[%add3A_881] : memref<768xf32, #tpu.memory_space<vmem>>[vector<16xi32>], vector<16xf32>,
      %select_n3A_883 = arith.select %ge3A_802, %gather3A_882, %gather3A_878 : vector<16xi1>, vector<16xf32>
      %mul3A_884 = arith.constant 16 : i32
      %mul3A_885 = arith.muli %and3A_789, %mul3A_884 : i32
      %swap3A_886 = arith.constant 1 : i32
      %swap3A_887 = arith.constant 0 : i32
      %swap3A_888 = arith.index_cast %swap3A_886 : i32 to index
      %swap3A_889 = arith.index_cast %shift_right_arithmetic3A_788 : i32 to index
      %swap3A_890 = arith.index_cast %swap3A_887 : i32 to index
      %swap3A_891 = arith.index_cast %mul3A_885 : i32 to index
      %swap3A_892 = tpu.vector_load %arg10[%swap3A_888, %swap3A_889, %swap3A_890, %swap3A_891] {strides = array<i32>} : memref<3x4x4x128xf32, #tpu.memory_space<vmem>>, vector<16xf32>,
      tpu.vector_store %arg10[%swap3A_888, %swap3A_889, %swap3A_890, %swap3A_891], %select_n3A_883 {strides = array<i32>} : memref<3x4x4x128xf32, #tpu.memory_space<vmem>>, vector<16xf32>,
      %add3A_893 = arith.constant 2560 : i32
      %add3A_894 = vector.broadcast %add3A_893 : i32 to vector<16xi32>
      %add3A_895 = arith.addi %add3A_894, %add3A_796 : vector<16xi32>
      %gather3A_896 = tpu.vector_load_idx %arg9[%add3A_895, %get3A_792] : memref<6144x16xf32, #tpu.memory_space<vmem>>[vector<16xi32>, vector<16xi32>], vector<16xf32>,
      %add3A_897 = arith.constant 320 : i32
      %add3A_898 = vector.broadcast %add3A_897 : i32 to vector<16xi32>
      %add3A_899 = arith.addi %add3A_898, %select_n3A : vector<16xi32>
      %gather3A_900 = tpu.vector_load_idx %arg11[%add3A_899] : memref<768xf32, #tpu.memory_space<vmem>>[vector<16xi32>], vector<16xf32>,
      %select_n3A_901 = arith.select %ge3A_802, %gather3A_900, %gather3A_896 : vector<16xi1>, vector<16xf32>
      %mul3A_902 = arith.constant 16 : i32
      %mul3A_903 = arith.muli %and3A_789, %mul3A_902 : i32
      %swap3A_904 = arith.constant 1 : i32
      %swap3A_905 = arith.constant 1 : i32
      %swap3A_906 = arith.index_cast %swap3A_904 : i32 to index
      %swap3A_907 = arith.index_cast %shift_right_arithmetic3A_788 : i32 to index
      %swap3A_908 = arith.index_cast %swap3A_905 : i32 to index
      %swap3A_909 = arith.index_cast %mul3A_903 : i32 to index
      %swap3A_910 = tpu.vector_load %arg10[%swap3A_906, %swap3A_907, %swap3A_908, %swap3A_909] {strides = array<i32>} : memref<3x4x4x128xf32, #tpu.memory_space<vmem>>, vector<16xf32>,
      tpu.vector_store %arg10[%swap3A_906, %swap3A_907, %swap3A_908, %swap3A_909], %select_n3A_901 {strides = array<i32>} : memref<3x4x4x128xf32, #tpu.memory_space<vmem>>, vector<16xf32>,
      %add3A_911 = arith.constant 3072 : i32
      %add3A_912 = vector.broadcast %add3A_911 : i32 to vector<16xi32>
      %add3A_913 = arith.addi %add3A_912, %add3A_796 : vector<16xi32>
      %gather3A_914 = tpu.vector_load_idx %arg9[%add3A_913, %get3A_792] : memref<6144x16xf32, #tpu.memory_space<vmem>>[vector<16xi32>, vector<16xi32>], vector<16xf32>,
      %add3A_915 = arith.constant 384 : i32
      %add3A_916 = vector.broadcast %add3A_915 : i32 to vector<16xi32>
      %add3A_917 = arith.addi %add3A_916, %select_n3A : vector<16xi32>
      %gather3A_918 = tpu.vector_load_idx %arg11[%add3A_917] : memref<768xf32, #tpu.memory_space<vmem>>[vector<16xi32>], vector<16xf32>,
      %select_n3A_919 = arith.select %ge3A_802, %gather3A_918, %gather3A_914 : vector<16xi1>, vector<16xf32>
      %mul3A_920 = arith.constant 16 : i32
      %mul3A_921 = arith.muli %and3A_789, %mul3A_920 : i32
      %swap3A_922 = arith.constant 1 : i32
      %swap3A_923 = arith.constant 2 : i32
      %swap3A_924 = arith.index_cast %swap3A_922 : i32 to index
      %swap3A_925 = arith.index_cast %shift_right_arithmetic3A_788 : i32 to index
      %swap3A_926 = arith.index_cast %swap3A_923 : i32 to index
      %swap3A_927 = arith.index_cast %mul3A_921 : i32 to index
      %swap3A_928 = tpu.vector_load %arg10[%swap3A_924, %swap3A_925, %swap3A_926, %swap3A_927] {strides = array<i32>} : memref<3x4x4x128xf32, #tpu.memory_space<vmem>>, vector<16xf32>,
      tpu.vector_store %arg10[%swap3A_924, %swap3A_925, %swap3A_926, %swap3A_927], %select_n3A_919 {strides = array<i32>} : memref<3x4x4x128xf32, #tpu.memory_space<vmem>>, vector<16xf32>,
      %add3A_929 = arith.constant 3584 : i32
      %add3A_930 = vector.broadcast %add3A_929 : i32 to vector<16xi32>
      %add3A_931 = arith.addi %add3A_930, %add3A_796 : vector<16xi32>
      %gather3A_932 = tpu.vector_load_idx %arg9[%add3A_931, %get3A_792] : memref<6144x16xf32, #tpu.memory_space<vmem>>[vector<16xi32>, vector<16xi32>], vector<16xf32>,
      %add3A_933 = arith.constant 448 : i32
      %add3A_934 = vector.broadcast %add3A_933 : i32 to vector<16xi32>
      %add3A_935 = arith.addi %add3A_934, %select_n3A : vector<16xi32>
      %gather3A_936 = tpu.vector_load_idx %arg11[%add3A_935] : memref<768xf32, #tpu.memory_space<vmem>>[vector<16xi32>], vector<16xf32>,
      %select_n3A_937 = arith.select %ge3A_802, %gather3A_936, %gather3A_932 : vector<16xi1>, vector<16xf32>
      %mul3A_938 = arith.constant 16 : i32
      %mul3A_939 = arith.muli %and3A_789, %mul3A_938 : i32
      %swap3A_940 = arith.constant 1 : i32
      %swap3A_941 = arith.constant 3 : i32
      %swap3A_942 = arith.index_cast %swap3A_940 : i32 to index
      %swap3A_943 = arith.index_cast %shift_right_arithmetic3A_788 : i32 to index
      %swap3A_944 = arith.index_cast %swap3A_941 : i32 to index
      %swap3A_945 = arith.index_cast %mul3A_939 : i32 to index
      %swap3A_946 = tpu.vector_load %arg10[%swap3A_942, %swap3A_943, %swap3A_944, %swap3A_945] {strides = array<i32>} : memref<3x4x4x128xf32, #tpu.memory_space<vmem>>, vector<16xf32>,
      tpu.vector_store %arg10[%swap3A_942, %swap3A_943, %swap3A_944, %swap3A_945], %select_n3A_937 {strides = array<i32>} : memref<3x4x4x128xf32, #tpu.memory_space<vmem>>, vector<16xf32>,
      %add3A_947 = arith.constant 4096 : i32
      %add3A_948 = vector.broadcast %add3A_947 : i32 to vector<16xi32>
      %add3A_949 = arith.addi %add3A_948, %add3A_796 : vector<16xi32>
      %gather3A_950 = tpu.vector_load_idx %arg9[%add3A_949, %get3A_792] : memref<6144x16xf32, #tpu.memory_space<vmem>>[vector<16xi32>, vector<16xi32>], vector<16xf32>,
      %add3A_951 = arith.constant 512 : i32
      %add3A_952 = vector.broadcast %add3A_951 : i32 to vector<16xi32>
      %add3A_953 = arith.addi %add3A_952, %select_n3A : vector<16xi32>
      %gather3A_954 = tpu.vector_load_idx %arg11[%add3A_953] : memref<768xf32, #tpu.memory_space<vmem>>[vector<16xi32>], vector<16xf32>,
      %select_n3A_955 = arith.select %ge3A_802, %gather3A_954, %gather3A_950 : vector<16xi1>, vector<16xf32>
      %mul3A_956 = arith.constant 16 : i32
      %mul3A_957 = arith.muli %and3A_789, %mul3A_956 : i32
      %swap3A_958 = arith.constant 2 : i32
      %swap3A_959 = arith.constant 0 : i32
      %swap3A_960 = arith.index_cast %swap3A_958 : i32 to index
      %swap3A_961 = arith.index_cast %shift_right_arithmetic3A_788 : i32 to index
      %swap3A_962 = arith.index_cast %swap3A_959 : i32 to index
      %swap3A_963 = arith.index_cast %mul3A_957 : i32 to index
      %swap3A_964 = tpu.vector_load %arg10[%swap3A_960, %swap3A_961, %swap3A_962, %swap3A_963] {strides = array<i32>} : memref<3x4x4x128xf32, #tpu.memory_space<vmem>>, vector<16xf32>,
      tpu.vector_store %arg10[%swap3A_960, %swap3A_961, %swap3A_962, %swap3A_963], %select_n3A_955 {strides = array<i32>} : memref<3x4x4x128xf32, #tpu.memory_space<vmem>>, vector<16xf32>,
      %add3A_965 = arith.constant 4608 : i32
      %add3A_966 = vector.broadcast %add3A_965 : i32 to vector<16xi32>
      %add3A_967 = arith.addi %add3A_966, %add3A_796 : vector<16xi32>
      %gather3A_968 = tpu.vector_load_idx %arg9[%add3A_967, %get3A_792] : memref<6144x16xf32, #tpu.memory_space<vmem>>[vector<16xi32>, vector<16xi32>], vector<16xf32>,
      %add3A_969 = arith.constant 576 : i32
      %add3A_970 = vector.broadcast %add3A_969 : i32 to vector<16xi32>
      %add3A_971 = arith.addi %add3A_970, %select_n3A : vector<16xi32>
      %gather3A_972 = tpu.vector_load_idx %arg11[%add3A_971] : memref<768xf32, #tpu.memory_space<vmem>>[vector<16xi32>], vector<16xf32>,
      %select_n3A_973 = arith.select %ge3A_802, %gather3A_972, %gather3A_968 : vector<16xi1>, vector<16xf32>
      %mul3A_974 = arith.constant 16 : i32
      %mul3A_975 = arith.muli %and3A_789, %mul3A_974 : i32
      %swap3A_976 = arith.constant 2 : i32
      %swap3A_977 = arith.constant 1 : i32
      %swap3A_978 = arith.index_cast %swap3A_976 : i32 to index
      %swap3A_979 = arith.index_cast %shift_right_arithmetic3A_788 : i32 to index
      %swap3A_980 = arith.index_cast %swap3A_977 : i32 to index
      %swap3A_981 = arith.index_cast %mul3A_975 : i32 to index
      %swap3A_982 = tpu.vector_load %arg10[%swap3A_978, %swap3A_979, %swap3A_980, %swap3A_981] {strides = array<i32>} : memref<3x4x4x128xf32, #tpu.memory_space<vmem>>, vector<16xf32>,
      tpu.vector_store %arg10[%swap3A_978, %swap3A_979, %swap3A_980, %swap3A_981], %select_n3A_973 {strides = array<i32>} : memref<3x4x4x128xf32, #tpu.memory_space<vmem>>, vector<16xf32>,
      %add3A_983 = arith.constant 5120 : i32
      %add3A_984 = vector.broadcast %add3A_983 : i32 to vector<16xi32>
      %add3A_985 = arith.addi %add3A_984, %add3A_796 : vector<16xi32>
      %gather3A_986 = tpu.vector_load_idx %arg9[%add3A_985, %get3A_792] : memref<6144x16xf32, #tpu.memory_space<vmem>>[vector<16xi32>, vector<16xi32>], vector<16xf32>,
      %add3A_987 = arith.constant 640 : i32
      %add3A_988 = vector.broadcast %add3A_987 : i32 to vector<16xi32>
      %add3A_989 = arith.addi %add3A_988, %select_n3A : vector<16xi32>
      %gather3A_990 = tpu.vector_load_idx %arg11[%add3A_989] : memref<768xf32, #tpu.memory_space<vmem>>[vector<16xi32>], vector<16xf32>,
      %select_n3A_991 = arith.select %ge3A_802, %gather3A_990, %gather3A_986 : vector<16xi1>, vector<16xf32>
      %mul3A_992 = arith.constant 16 : i32
      %mul3A_993 = arith.muli %and3A_789, %mul3A_992 : i32
      %swap3A_994 = arith.constant 2 : i32
      %swap3A_995 = arith.constant 2 : i32
      %swap3A_996 = arith.index_cast %swap3A_994 : i32 to index
      %swap3A_997 = arith.index_cast %shift_right_arithmetic3A_788 : i32 to index
      %swap3A_998 = arith.index_cast %swap3A_995 : i32 to index
      %swap3A_999 = arith.index_cast %mul3A_993 : i32 to index
      %swap3A_1000 = tpu.vector_load %arg10[%swap3A_996, %swap3A_997, %swap3A_998, %swap3A_999] {strides = array<i32>} : memref<3x4x4x128xf32, #tpu.memory_space<vmem>>, vector<16xf32>,
      tpu.vector_store %arg10[%swap3A_996, %swap3A_997, %swap3A_998, %swap3A_999], %select_n3A_991 {strides = array<i32>} : memref<3x4x4x128xf32, #tpu.memory_space<vmem>>, vector<16xf32>,
      %add3A_1001 = arith.constant 5632 : i32
      %add3A_1002 = vector.broadcast %add3A_1001 : i32 to vector<16xi32>
      %add3A_1003 = arith.addi %add3A_1002, %add3A_796 : vector<16xi32>
      %gather3A_1004 = tpu.vector_load_idx %arg9[%add3A_1003, %get3A_792] : memref<6144x16xf32, #tpu.memory_space<vmem>>[vector<16xi32>, vector<16xi32>], vector<16xf32>,
      %add3A_1005 = arith.constant 704 : i32
      %add3A_1006 = vector.broadcast %add3A_1005 : i32 to vector<16xi32>
      %add3A_1007 = arith.addi %add3A_1006, %select_n3A : vector<16xi32>
      %gather3A_1008 = tpu.vector_load_idx %arg11[%add3A_1007] : memref<768xf32, #tpu.memory_space<vmem>>[vector<16xi32>], vector<16xf32>,
      %select_n3A_1009 = arith.select %ge3A_802, %gather3A_1008, %gather3A_1004 : vector<16xi1>, vector<16xf32>
      %mul3A_1010 = arith.constant 16 : i32
      %mul3A_1011 = arith.muli %and3A_789, %mul3A_1010 : i32
      %swap3A_1012 = arith.constant 2 : i32
      %swap3A_1013 = arith.constant 3 : i32
      %swap3A_1014 = arith.index_cast %swap3A_1012 : i32 to index
      %swap3A_1015 = arith.index_cast %shift_right_arithmetic3A_788 : i32 to index
      %swap3A_1016 = arith.index_cast %swap3A_1013 : i32 to index
      %swap3A_1017 = arith.index_cast %mul3A_1011 : i32 to index
      %swap3A_1018 = tpu.vector_load %arg10[%swap3A_1014, %swap3A_1015, %swap3A_1016, %swap3A_1017] {strides = array<i32>} : memref<3x4x4x128xf32, #tpu.memory_space<vmem>>, vector<16xf32>,
      tpu.vector_store %arg10[%swap3A_1014, %swap3A_1015, %swap3A_1016, %swap3A_1017], %select_n3A_1009 {strides = array<i32>} : memref<3x4x4x128xf32, #tpu.memory_space<vmem>>, vector<16xf32>,
    }
    %scan3A_779 = arith.constant 32 : i32
    %mul3A_780 = arith.constant 4 : i32
    %mul3A_781 = arith.muli %add3A, %mul3A_780 : i32
    %run_scoped3A = arith.constant 0 : i32
    %run_scoped3A_782 = arith.constant 0 : i32
    "tpu.region"() ({
      %run_scoped3A_787 = tpu.sem_alloc : memref<!tpu.dma_semaphore, #tpu.memory_space<semaphore_mem>>
      %dma_start3A_788 = arith.constant 0 : i32
      %dma_start3A_789 = arith.constant 0 : i32
      %dma_start3A_790 = arith.constant 0 : i32
      %dma_start3A_791 = tpu.memref_slice %arg10[%run_scoped3A, %dma_start3A_788, %dma_start3A_789, %dma_start3A_790] : memref<3x4x4x128xf32, #tpu.memory_space<vmem>> -> memref<1x4x4x128xf32, #tpu.memory_space<vmem>>
      %dma_start3A_792 = tpu.memref_squeeze %dma_start3A_791 : memref<1x4x4x128xf32, #tpu.memory_space<vmem>> -> memref<4x4x128xf32, #tpu.memory_space<vmem>>
      %dma_start3A_793 = arith.constant 0 : i32
      %dma_start3A_794 = arith.constant 0 : i32
      %dma_start3A_795 = tpu.memref_slice %arg5[%run_scoped3A_782, %mul3A_781, %dma_start3A_793, %dma_start3A_794] : memref<3x128x4x128xf32, #tpu.memory_space<hbm>> -> memref<1x4x4x128xf32, #tpu.memory_space<hbm>>
      %dma_start3A_796 = tpu.memref_squeeze %dma_start3A_795 : memref<1x4x4x128xf32, #tpu.memory_space<hbm>> -> memref<4x4x128xf32, #tpu.memory_space<hbm>>
      %dma_start3A_797 = arith.constant 0 : i32
      %dma_start3A_798 = arith.constant 0 : i32
      %dma_start3A_799 = tpu.memref_slice %arg5[%run_scoped3A_782, %mul3A_781, %dma_start3A_797, %dma_start3A_798] : memref<3x128x4x128xf32, #tpu.memory_space<hbm>> -> memref<1x4x4x128xf32, #tpu.memory_space<hbm>>
      %dma_start3A_800 = tpu.memref_squeeze %dma_start3A_799 : memref<1x4x4x128xf32, #tpu.memory_space<hbm>> -> memref<4x4x128xf32, #tpu.memory_space<hbm>>
      %dma_start3A_801 = arith.constant 0 : i32
      %dma_start3A_802 = arith.constant 0 : i32
      %dma_start3A_803 = arith.constant 0 : i32
      %dma_start3A_804 = tpu.memref_slice %arg10[%run_scoped3A, %dma_start3A_801, %dma_start3A_802, %dma_start3A_803] : memref<3x4x4x128xf32, #tpu.memory_space<vmem>> -> memref<1x4x4x128xf32, #tpu.memory_space<vmem>>
      %dma_start3A_805 = tpu.memref_squeeze %dma_start3A_804 : memref<1x4x4x128xf32, #tpu.memory_space<vmem>> -> memref<4x4x128xf32, #tpu.memory_space<vmem>>
      tpu.enqueue_dma source(%dma_start3A_805 : memref<4x4x128xf32, #tpu.memory_space<vmem>>) target(%dma_start3A_800 : memref<4x4x128xf32, #tpu.memory_space<hbm>>) target_semaphore(%run_scoped3A_787 : memref<!tpu.dma_semaphore, #tpu.memory_space<semaphore_mem>>)
      %dma_wait3A_806 = arith.constant 0 : i32
      %dma_wait3A_807 = arith.constant 0 : i32
      %dma_wait3A_808 = arith.constant 0 : i32
      %dma_wait3A_809 = tpu.memref_slice %arg10[%run_scoped3A, %dma_wait3A_806, %dma_wait3A_807, %dma_wait3A_808] : memref<3x4x4x128xf32, #tpu.memory_space<vmem>> -> memref<1x4x4x128xf32, #tpu.memory_space<vmem>>
      %dma_wait3A_810 = tpu.memref_squeeze %dma_wait3A_809 : memref<1x4x4x128xf32, #tpu.memory_space<vmem>> -> memref<4x4x128xf32, #tpu.memory_space<vmem>>
      %dma_wait3A_811 = arith.constant 0 : i32
      %dma_wait3A_812 = arith.constant 0 : i32
      %dma_wait3A_813 = tpu.memref_slice %arg5[%run_scoped3A_782, %mul3A_781, %dma_wait3A_811, %dma_wait3A_812] : memref<3x128x4x128xf32, #tpu.memory_space<hbm>> -> memref<1x4x4x128xf32, #tpu.memory_space<hbm>>
      %dma_wait3A_814 = tpu.memref_squeeze %dma_wait3A_813 : memref<1x4x4x128xf32, #tpu.memory_space<hbm>> -> memref<4x4x128xf32, #tpu.memory_space<hbm>>
      %dma_wait3A_815 = arith.constant 0 : i32
      %dma_wait3A_816 = arith.constant 0 : i32
      %dma_wait3A_817 = tpu.memref_slice %arg5[%run_scoped3A_782, %mul3A_781, %dma_wait3A_815, %dma_wait3A_816] : memref<3x128x4x128xf32, #tpu.memory_space<hbm>> -> memref<1x4x4x128xf32, #tpu.memory_space<hbm>>
      %dma_wait3A_818 = tpu.memref_squeeze %dma_wait3A_817 : memref<1x4x4x128xf32, #tpu.memory_space<hbm>> -> memref<4x4x128xf32, #tpu.memory_space<hbm>>
      %dma_wait3A_819 = arith.constant 0 : i32
      %dma_wait3A_820 = arith.constant 0 : i32
      %dma_wait3A_821 = arith.constant 0 : i32
      %dma_wait3A_822 = tpu.memref_slice %arg10[%run_scoped3A, %dma_wait3A_819, %dma_wait3A_820, %dma_wait3A_821] : memref<3x4x4x128xf32, #tpu.memory_space<vmem>> -> memref<1x4x4x128xf32, #tpu.memory_space<vmem>>
      %dma_wait3A_823 = tpu.memref_squeeze %dma_wait3A_822 : memref<1x4x4x128xf32, #tpu.memory_space<vmem>> -> memref<4x4x128xf32, #tpu.memory_space<vmem>>
      tpu.wait_dma2 semaphore(%run_scoped3A_787 : memref<!tpu.dma_semaphore, #tpu.memory_space<semaphore_mem>>) src(%dma_wait3A_823 : memref<4x4x128xf32, #tpu.memory_space<vmem>>) dst(%dma_wait3A_818 : memref<4x4x128xf32, #tpu.memory_space<hbm>>)
      tpu.yield
    }) : () -> ()
    %run_scoped3A_783 = arith.constant 1 : i32
    %run_scoped3A_784 = arith.constant 1 : i32
    "tpu.region"() ({
      %run_scoped3A_787 = tpu.sem_alloc : memref<!tpu.dma_semaphore, #tpu.memory_space<semaphore_mem>>
      %dma_start3A_788 = arith.constant 0 : i32
      %dma_start3A_789 = arith.constant 0 : i32
      %dma_start3A_790 = arith.constant 0 : i32
      %dma_start3A_791 = tpu.memref_slice %arg10[%run_scoped3A_783, %dma_start3A_788, %dma_start3A_789, %dma_start3A_790] : memref<3x4x4x128xf32, #tpu.memory_space<vmem>> -> memref<1x4x4x128xf32, #tpu.memory_space<vmem>>
      %dma_start3A_792 = tpu.memref_squeeze %dma_start3A_791 : memref<1x4x4x128xf32, #tpu.memory_space<vmem>> -> memref<4x4x128xf32, #tpu.memory_space<vmem>>
      %dma_start3A_793 = arith.constant 0 : i32
      %dma_start3A_794 = arith.constant 0 : i32
      %dma_start3A_795 = tpu.memref_slice %arg5[%run_scoped3A_784, %mul3A_781, %dma_start3A_793, %dma_start3A_794] : memref<3x128x4x128xf32, #tpu.memory_space<hbm>> -> memref<1x4x4x128xf32, #tpu.memory_space<hbm>>
      %dma_start3A_796 = tpu.memref_squeeze %dma_start3A_795 : memref<1x4x4x128xf32, #tpu.memory_space<hbm>> -> memref<4x4x128xf32, #tpu.memory_space<hbm>>
      %dma_start3A_797 = arith.constant 0 : i32
      %dma_start3A_798 = arith.constant 0 : i32
      %dma_start3A_799 = tpu.memref_slice %arg5[%run_scoped3A_784, %mul3A_781, %dma_start3A_797, %dma_start3A_798] : memref<3x128x4x128xf32, #tpu.memory_space<hbm>> -> memref<1x4x4x128xf32, #tpu.memory_space<hbm>>
      %dma_start3A_800 = tpu.memref_squeeze %dma_start3A_799 : memref<1x4x4x128xf32, #tpu.memory_space<hbm>> -> memref<4x4x128xf32, #tpu.memory_space<hbm>>
      %dma_start3A_801 = arith.constant 0 : i32
      %dma_start3A_802 = arith.constant 0 : i32
      %dma_start3A_803 = arith.constant 0 : i32
      %dma_start3A_804 = tpu.memref_slice %arg10[%run_scoped3A_783, %dma_start3A_801, %dma_start3A_802, %dma_start3A_803] : memref<3x4x4x128xf32, #tpu.memory_space<vmem>> -> memref<1x4x4x128xf32, #tpu.memory_space<vmem>>
      %dma_start3A_805 = tpu.memref_squeeze %dma_start3A_804 : memref<1x4x4x128xf32, #tpu.memory_space<vmem>> -> memref<4x4x128xf32, #tpu.memory_space<vmem>>
      tpu.enqueue_dma source(%dma_start3A_805 : memref<4x4x128xf32, #tpu.memory_space<vmem>>) target(%dma_start3A_800 : memref<4x4x128xf32, #tpu.memory_space<hbm>>) target_semaphore(%run_scoped3A_787 : memref<!tpu.dma_semaphore, #tpu.memory_space<semaphore_mem>>)
      %dma_wait3A_806 = arith.constant 0 : i32
      %dma_wait3A_807 = arith.constant 0 : i32
      %dma_wait3A_808 = arith.constant 0 : i32
      %dma_wait3A_809 = tpu.memref_slice %arg10[%run_scoped3A_783, %dma_wait3A_806, %dma_wait3A_807, %dma_wait3A_808] : memref<3x4x4x128xf32, #tpu.memory_space<vmem>> -> memref<1x4x4x128xf32, #tpu.memory_space<vmem>>
      %dma_wait3A_810 = tpu.memref_squeeze %dma_wait3A_809 : memref<1x4x4x128xf32, #tpu.memory_space<vmem>> -> memref<4x4x128xf32, #tpu.memory_space<vmem>>
      %dma_wait3A_811 = arith.constant 0 : i32
      %dma_wait3A_812 = arith.constant 0 : i32
      %dma_wait3A_813 = tpu.memref_slice %arg5[%run_scoped3A_784, %mul3A_781, %dma_wait3A_811, %dma_wait3A_812] : memref<3x128x4x128xf32, #tpu.memory_space<hbm>> -> memref<1x4x4x128xf32, #tpu.memory_space<hbm>>
      %dma_wait3A_814 = tpu.memref_squeeze %dma_wait3A_813 : memref<1x4x4x128xf32, #tpu.memory_space<hbm>> -> memref<4x4x128xf32, #tpu.memory_space<hbm>>
      %dma_wait3A_815 = arith.constant 0 : i32
      %dma_wait3A_816 = arith.constant 0 : i32
      %dma_wait3A_817 = tpu.memref_slice %arg5[%run_scoped3A_784, %mul3A_781, %dma_wait3A_815, %dma_wait3A_816] : memref<3x128x4x128xf32, #tpu.memory_space<hbm>> -> memref<1x4x4x128xf32, #tpu.memory_space<hbm>>
      %dma_wait3A_818 = tpu.memref_squeeze %dma_wait3A_817 : memref<1x4x4x128xf32, #tpu.memory_space<hbm>> -> memref<4x4x128xf32, #tpu.memory_space<hbm>>
      %dma_wait3A_819 = arith.constant 0 : i32
      %dma_wait3A_820 = arith.constant 0 : i32
      %dma_wait3A_821 = arith.constant 0 : i32
      %dma_wait3A_822 = tpu.memref_slice %arg10[%run_scoped3A_783, %dma_wait3A_819, %dma_wait3A_820, %dma_wait3A_821] : memref<3x4x4x128xf32, #tpu.memory_space<vmem>> -> memref<1x4x4x128xf32, #tpu.memory_space<vmem>>
      %dma_wait3A_823 = tpu.memref_squeeze %dma_wait3A_822 : memref<1x4x4x128xf32, #tpu.memory_space<vmem>> -> memref<4x4x128xf32, #tpu.memory_space<vmem>>
      tpu.wait_dma2 semaphore(%run_scoped3A_787 : memref<!tpu.dma_semaphore, #tpu.memory_space<semaphore_mem>>) src(%dma_wait3A_823 : memref<4x4x128xf32, #tpu.memory_space<vmem>>) dst(%dma_wait3A_818 : memref<4x4x128xf32, #tpu.memory_space<hbm>>)
      tpu.yield
    }) : () -> ()
    %run_scoped3A_785 = arith.constant 2 : i32
    %run_scoped3A_786 = arith.constant 2 : i32
    "tpu.region"() ({
      %run_scoped3A_787 = tpu.sem_alloc : memref<!tpu.dma_semaphore, #tpu.memory_space<semaphore_mem>>
      %dma_start3A_788 = arith.constant 0 : i32
      %dma_start3A_789 = arith.constant 0 : i32
      %dma_start3A_790 = arith.constant 0 : i32
      %dma_start3A_791 = tpu.memref_slice %arg10[%run_scoped3A_785, %dma_start3A_788, %dma_start3A_789, %dma_start3A_790] : memref<3x4x4x128xf32, #tpu.memory_space<vmem>> -> memref<1x4x4x128xf32, #tpu.memory_space<vmem>>
      %dma_start3A_792 = tpu.memref_squeeze %dma_start3A_791 : memref<1x4x4x128xf32, #tpu.memory_space<vmem>> -> memref<4x4x128xf32, #tpu.memory_space<vmem>>
      %dma_start3A_793 = arith.constant 0 : i32
      %dma_start3A_794 = arith.constant 0 : i32
      %dma_start3A_795 = tpu.memref_slice %arg5[%run_scoped3A_786, %mul3A_781, %dma_start3A_793, %dma_start3A_794] : memref<3x128x4x128xf32, #tpu.memory_space<hbm>> -> memref<1x4x4x128xf32, #tpu.memory_space<hbm>>
      %dma_start3A_796 = tpu.memref_squeeze %dma_start3A_795 : memref<1x4x4x128xf32, #tpu.memory_space<hbm>> -> memref<4x4x128xf32, #tpu.memory_space<hbm>>
      %dma_start3A_797 = arith.constant 0 : i32
      %dma_start3A_798 = arith.constant 0 : i32
      %dma_start3A_799 = tpu.memref_slice %arg5[%run_scoped3A_786, %mul3A_781, %dma_start3A_797, %dma_start3A_798] : memref<3x128x4x128xf32, #tpu.memory_space<hbm>> -> memref<1x4x4x128xf32, #tpu.memory_space<hbm>>
      %dma_start3A_800 = tpu.memref_squeeze %dma_start3A_799 : memref<1x4x4x128xf32, #tpu.memory_space<hbm>> -> memref<4x4x128xf32, #tpu.memory_space<hbm>>
      %dma_start3A_801 = arith.constant 0 : i32
      %dma_start3A_802 = arith.constant 0 : i32
      %dma_start3A_803 = arith.constant 0 : i32
      %dma_start3A_804 = tpu.memref_slice %arg10[%run_scoped3A_785, %dma_start3A_801, %dma_start3A_802, %dma_start3A_803] : memref<3x4x4x128xf32, #tpu.memory_space<vmem>> -> memref<1x4x4x128xf32, #tpu.memory_space<vmem>>
      %dma_start3A_805 = tpu.memref_squeeze %dma_start3A_804 : memref<1x4x4x128xf32, #tpu.memory_space<vmem>> -> memref<4x4x128xf32, #tpu.memory_space<vmem>>
      tpu.enqueue_dma source(%dma_start3A_805 : memref<4x4x128xf32, #tpu.memory_space<vmem>>) target(%dma_start3A_800 : memref<4x4x128xf32, #tpu.memory_space<hbm>>) target_semaphore(%run_scoped3A_787 : memref<!tpu.dma_semaphore, #tpu.memory_space<semaphore_mem>>)
      %dma_wait3A_806 = arith.constant 0 : i32
      %dma_wait3A_807 = arith.constant 0 : i32
      %dma_wait3A_808 = arith.constant 0 : i32
      %dma_wait3A_809 = tpu.memref_slice %arg10[%run_scoped3A_785, %dma_wait3A_806, %dma_wait3A_807, %dma_wait3A_808] : memref<3x4x4x128xf32, #tpu.memory_space<vmem>> -> memref<1x4x4x128xf32, #tpu.memory_space<vmem>>
      %dma_wait3A_810 = tpu.memref_squeeze %dma_wait3A_809 : memref<1x4x4x128xf32, #tpu.memory_space<vmem>> -> memref<4x4x128xf32, #tpu.memory_space<vmem>>
      %dma_wait3A_811 = arith.constant 0 : i32
      %dma_wait3A_812 = arith.constant 0 : i32
      %dma_wait3A_813 = tpu.memref_slice %arg5[%run_scoped3A_786, %mul3A_781, %dma_wait3A_811, %dma_wait3A_812] : memref<3x128x4x128xf32, #tpu.memory_space<hbm>> -> memref<1x4x4x128xf32, #tpu.memory_space<hbm>>
      %dma_wait3A_814 = tpu.memref_squeeze %dma_wait3A_813 : memref<1x4x4x128xf32, #tpu.memory_space<hbm>> -> memref<4x4x128xf32, #tpu.memory_space<hbm>>
      %dma_wait3A_815 = arith.constant 0 : i32
      %dma_wait3A_816 = arith.constant 0 : i32
      %dma_wait3A_817 = tpu.memref_slice %arg5[%run_scoped3A_786, %mul3A_781, %dma_wait3A_815, %dma_wait3A_816] : memref<3x128x4x128xf32, #tpu.memory_space<hbm>> -> memref<1x4x4x128xf32, #tpu.memory_space<hbm>>
      %dma_wait3A_818 = tpu.memref_squeeze %dma_wait3A_817 : memref<1x4x4x128xf32, #tpu.memory_space<hbm>> -> memref<4x4x128xf32, #tpu.memory_space<hbm>>
      %dma_wait3A_819 = arith.constant 0 : i32
      %dma_wait3A_820 = arith.constant 0 : i32
      %dma_wait3A_821 = arith.constant 0 : i32
      %dma_wait3A_822 = tpu.memref_slice %arg10[%run_scoped3A_785, %dma_wait3A_819, %dma_wait3A_820, %dma_wait3A_821] : memref<3x4x4x128xf32, #tpu.memory_space<vmem>> -> memref<1x4x4x128xf32, #tpu.memory_space<vmem>>
      %dma_wait3A_823 = tpu.memref_squeeze %dma_wait3A_822 : memref<1x4x4x128xf32, #tpu.memory_space<vmem>> -> memref<4x4x128xf32, #tpu.memory_space<vmem>>
      tpu.wait_dma2 semaphore(%run_scoped3A_787 : memref<!tpu.dma_semaphore, #tpu.memory_space<semaphore_mem>>) src(%dma_wait3A_823 : memref<4x4x128xf32, #tpu.memory_space<vmem>>) dst(%dma_wait3A_818 : memref<4x4x128xf32, #tpu.memory_space<hbm>>)
      tpu.yield
    }) : () -> ()
    return
  }
}

</mosaic_0001>

<sc_bundles>
// kernel: kernel.3.cloned.1.call-start
scs
__scs_entry_jumppad:
0x0: {  	(pc) =	sbr.rel $0x88, $3  }
0x1: {  	(tag) =	ssettag $0x0;
	lr =	simm.s32 $0x1  }
0x2: {  	[smem:$0x3F9F] =	sst lr;
	_ =	strace $0xD0000000  }
0x3: {  	_ = 	snop  }
0x4: {  	_ = 	snop  }
0x5: {  	_ = 	snop  }
0x6: {  	_ = 	snop  }
0x7: {  	_ = 	snop  }
__scs_overlays_trampoline_lowered:
0x8: {  	[smem:$0x3FAE] =	sst s0  }
0x9: {  	[smem:$0x3FAF] =	sst s1  }
0xa: {  	[smem:$0x3FB0] =	sst s2  }
0xb: {  	[smem:$0x3FB1] =	sst s3  }
0xc: {  	[smem:$0x3FB2] =	sst s4  }
0xd: {  	[smem:$0x3FB3] =	sst s5  }
0xe: {  	[smem:$0x3FB4] =	sst s6  }
0xf: {  	[smem:$0x3FB5] =	sst s7  }
0x10: {  	[smem:$0x3FB6] =	sst s8  }
0x11: {  	[smem:$0x3FB7] =	sst s9;
	s0 =	simm.s32 @!p0 $0x0  }
0x12: {  	s1 =	sld [smem:$0x3F9D];
	s0 =	simm.s32 @p0 $0x1  }
0x13: {  	[smem:$0x3FB8] =	sst s0;
	s0 =	simm.s32 @!p1 $0x0  }
0x14: {  	s2 =	sld [smem:$0x3F9C];
	s0 =	simm.s32 @p1 $0x1  }
0x15: {  	[smem:$0x3FB9] =	sst s0;
	s0 =	simm.s32 @!p2 $0x0  }
0x16: {  	s3 =	sld [smem:$0x3FDB];
	s0 =	simm.s32 @p2 $0x1  }
0x17: {  	s4 =	simm.s32 $0x1BF5;
	[smem:$0x3FBB] =	sst s0  }
0x18: {  	s0 =	sld [smem:$0x3F9E];
	_ =	swait.ge [sflag:s4], $0x0  }
0x19: {  	s7 =	sld [smem:$0x3F9F]  }
0x1a: {  	s8 =	sadd.s32 $0xFFFFE003, lr  }
0x1b: {  	s9 =	sadd.s32 $0xFFFFFEF7, lr;
	s5 =	simm.s32 $0xFFFFFFFF;
	p2 =	slt.u32 s8, $0xFFFFF086  }
0x1c: {  	p1 =	slt.u32 s9, $0xF7A;
	s5 =	simm.s32 @!p2 $0x0  }
0x1d: {  	s5 =	simm.s32 @p1 $0x1;
	p0 =	seq.s32 s7, s2  }
0x1e: {  	s7 =	smul.u32 @!p0 $0xF7A, s2;
	p2 =	seq.s32 @!p0 s5, $0x0  }
0x1f: {  	s9 =	smul.u32 $0xF7A, s1;
	s8 =	simm.s32 @!p0 $0x1BF5;
	p2 =	por !p2, p0  }
0x20: {  	[sflag:s8] =	ssyncset.s32 @!p0 $0xFFFFF086;
	s6 =	sadd.s32 @!p0 s3, s7;
	s7 =	simm.s32 @!p0 $0x108  }
0x21: {  	s3 =	sadd.s32 s3, s9;
	s6 =	sadd.s32 @!p0 $0x88, s6;
	s7 =	simm.s32 @p2 $0x1082  }
0x22: {  	[simem:s7], [sflag:s8] =	dma.local @!p0 [hbm:s6], $0xF7A  }
0x23: {  	s9 =	sor.u32 $0xD0000000, s2;
	s6 =	simm.s32 $0x108;
	_ =	swait.ge @!p0 [sflag:s8], $0x0  }
0x24: {  	s3 =	sadd.s32 $0x88, s3;
	s6 =	simm.s32 @!p1 $0x1082;
	[sflag:s4] =	ssyncset.s32 $0xFFFFF086  }
0x25: {  	[simem:s6], [sflag:s4] =	dma.local [hbm:s3], $0xF7A  }
0x26: {  	[smem:$0x3F9F] =	sst s1;
	(tag) =	ssettag s2;
	_ =	strace s9  }
0x27: {  	s1 =	sld [smem:$0x3FAF]  }
0x28: {  	s2 =	sld [smem:$0x3FB0]  }
0x29: {  	s4 =	sld [smem:$0x3FB2]  }
0x2a: {  	p0 =	seq.s32 s5, $0x0;
	s5 =	sld [smem:$0x3FB3]  }
0x2b: {  	s6 =	sld [smem:$0x3FB4]  }
0x2c: {  	s7 =	sld [smem:$0x3FB5]  }
0x2d: {  	s3 =	simm.s32 $0x108;
	s8 =	sld [smem:$0x3FB6]  }
0x2e: {  	s3 =	simm.s32 @!p0 $0x1082;
	s9 =	sld [smem:$0x3FB7]  }
0x2f: {  	lr =	sadd.s32 s0, s3;
	s0 =	sld [smem:$0x3FAE]  }
0x30: {  	s3 =	sld [smem:$0x3FB1]  }
0x31: {  	[smem:$0x3FBA] =	sst s10  }
0x32: {  	s10 =	sld [smem:$0x3FB8];
	_ =	sdelay $0x3  }
0x33: {  	p0 =	seq.s32 s10, $0x1;
	s10 =	sld [smem:$0x3FBA];
	_ =	sdelay $0x3  }
0x34: {  	[smem:$0x3FBA] =	sst s10  }
0x35: {  	s10 =	sld [smem:$0x3FB9];
	_ =	sdelay $0x3  }
0x36: {  	p1 =	seq.s32 s10, $0x1;
	s10 =	sld [smem:$0x3FBA];
	_ =	sdelay $0x3  }
0x37: {  	[smem:$0x3FBA] =	sst s10  }
0x38: {  	s10 =	sld [smem:$0x3FBB]  }
0x39: {  	_ = 	snop;
	(pc) =	sbr.ind lr, $3  }
0x3a: {  	_ = 	snop  }
0x3b: {  	_ = 	snop  }
0x3c: {  	p2 =	seq.s32 s10, $0x1;
	s10 =	sld [smem:$0x3FBA]  }
0x3d: {  	_ =	shalt  }
0x3e: {  	_ =	shalt  }
0x3f: {  	_ =	shalt  }
0x40: {  	_ =	shalt  }
0x41: {  	_ =	shalt  }
0x42: {  	_ =	shalt  }
0x43: {  	_ =	shalt  }
0x44: {  	_ =	shalt  }
0x45: {  	_ =	shalt  }
0x46: {  	_ =	shalt  }
0x47: {  	_ =	shalt  }
0x48: {  	_ =	shalt  }
0x49: {  	_ =	shalt  }
0x4a: {  	_ =	shalt  }
0x4b: {  	_ =	shalt  }
0x4c: {  	_ =	shalt  }
0x4d: {  	_ =	shalt  }
0x4e: {  	_ =	shalt  }
0x4f: {  	_ =	shalt  }
0x50: {  	_ =	shalt  }
0x51: {  	_ =	shalt  }
0x52: {  	_ =	shalt  }
0x53: {  	_ =	shalt  }
0x54: {  	_ =	shalt  }
0x55: {  	_ =	shalt  }
0x56: {  	_ =	shalt  }
0x57: {  	_ =	shalt  }
0x58: {  	_ =	shalt  }
0x59: {  	_ =	shalt  }
0x5a: {  	_ =	shalt  }
0x5b: {  	_ =	shalt  }
0x5c: {  	_ =	shalt  }
0x5d: {  	_ =	shalt  }
0x5e: {  	_ =	shalt  }
0x5f: {  	_ =	shalt  }
0x60: {  	_ =	shalt  }
0x61: {  	_ =	shalt  }
0x62: {  	_ =	shalt  }
0x63: {  	_ =	shalt  }
0x64: {  	_ =	shalt  }
0x65: {  	_ =	shalt  }
0x66: {  	_ =	shalt  }
0x67: {  	_ =	shalt  }
0x68: {  	_ =	shalt  }
0x69: {  	_ =	shalt  }
0x6a: {  	_ =	shalt  }
0x6b: {  	_ =	shalt  }
0x6c: {  	_ =	shalt  }
0x6d: {  	_ =	shalt  }
0x6e: {  	_ =	shalt  }
0x6f: {  	_ =	shalt  }
0x70: {  	_ =	shalt  }
0x71: {  	_ =	shalt  }
0x72: {  	_ =	shalt  }
0x73: {  	_ =	shalt  }
0x74: {  	_ =	shalt  }
0x75: {  	_ =	shalt  }
0x76: {  	_ =	shalt  }
0x77: {  	_ =	shalt  }
0x78: {  	_ =	shalt  }
0x79: {  	_ =	shalt  }
0x7a: {  	_ =	shalt  }
0x7b: {  	_ =	shalt  }
0x7c: {  	_ =	shalt  }
0x7d: {  	_ =	shalt  }
0x7e: {  	_ =	shalt  }
0x7f: {  	_ =	shalt  }
0x80: {  	_ =	shalt  }
0x81: {  	_ =	shalt  }
0x82: {  	_ =	shalt  }
0x83: {  	_ =	shalt  }
0x84: {  	_ =	shalt  }
0x85: {  	_ =	shalt  }
0x86: {  	_ =	shalt  }
0x87: {  	_ =	shalt  }
.Lfunc_end0:
.L_simem_size_0:
called_computation_lowered:
.L_overlay_start_0:
0x88: {  	s2 =	sld [smem:$0x3FD9]  }
0x89: {  	s3 =	sld [smem:$0x3FFE];
	_ =	sdelay $0x1  }
0x8a: {  	s1 =	srdreg.scid  }
0x8b: {  	s0 =	sand.u32 $0x1, s1  }
0x8c: {  	s17 =	sshll.u32 s0, $0xA;
	s2 =	sadd.s32 s3, s2  }
0x8d: {  	s2 =	sadd.s32 s2, s17  }
0x8e: {  	[smem:$0x3FC6] =	sst s2  }
0x8f: {  	_ = 	snop  }
0x90: {  	s2 =	sld [smem:$0x3FD0];
	(tm) =	ssettm $0x1  }
0x91: {  	s18 =	sld [smem:$0x3FFB];
	_ =	sdelay $0x3  }
0x92: {  	_ =	strace s18  }
0x93: {  	s3 =	sld [smem:$0x3FFC];
	_ =	sdelay $0x3  }
0x94: {  	_ =	strace s3  }
0x95: {  	s3 =	sld [smem:$0x3FFD];
	_ =	sdelay $0x3  }
0x96: {  	_ =	strace s3  }
0x97: {  	_ =	strace $0x8FFFFFFF  }
0x98: {  	s19 =	sld [smem:$0x3FDB];
	_ =	sdelay $0x1  }
0x99: {  	s4 =	simm.s32 $_scs_section_size  }
0x9a: {  	s5 =	simm.s32 $_size__tile_overlayer_lowered;
	s6 =	simm.s32 $_tile_overlayer_lowered  }
0x9b: {  	s22 =	simm.s32 $0x1BFF;
	s21 =	sshll.u32 s6, $0x1;
	s3 =	sadd.s32 s4, s19  }
0x9c: {  	s7 =	simm.s32 $0x0;
	s20 =	sshll.u32 s5, $0x1;
	s5 =	sadd.s32 s21, s3  }
0x9d: {  	[timem:s7], [sflag:s22] =	dma.local [hbm:s5], s20  }
0x9e: {  	_ =	swait.ge [sflag:s22], s20  }
0x9f: {  	s4 =	ssub.s32 $0x0, s20;
	[sflag:s22] =	ssyncset.done $0x0  }
0xa0: {  	[sflag:s22] =	ssyncadd.s32 s4;
	_ =	sdelay $0x1  }
0xa1: {  	s23 =	simm.s32 $0x1B8B  }
0xa2: {  	_ =	swait.ge [sflag:s23], $0x1  }
0xa3: {  	[sflag:s23] =	ssyncset.done $0x0  }
0xa4: {  	s25 =	simm.s32 $0x1B8E;
	s24 =	sld [smem:$0x3FFE];
	[sflag:s23] =	ssyncadd.s32 $0xFFFFFFFF  }
0xa5: {  	s26 =	simm.s32 $execute0_lowered;
	[smem:$0x3FD2] =	sst s25  }
0xa6: {  	s5 =	sshll.u32 s26, $0x1;
	_ =	strace $0x80000046;
	[dreg:$0x1] =	wrdreg $0xFFFFFFFF  }
0xa7: {  	s28 =	simm.s32 $_size_execute0_lowered;
	s3 =	sadd.s32 s3, s5;
	[dreg:$0x0] =	wrdreg $0x0  }
0xa8: {  	s5 =	sshll.u32 s28, $0x1;
	[dreg:$0x2] =	wrdreg s3  }
0xa9: {  	[dreg:$0x3] =	wrdreg s5  }
0xaa: {  	[dreg:$0x4] =	wrdreg $0xC0  }
0xab: {  	_ =	task [dreg:s7], $0x5FFFF  }
0xac: {  	[dreg:$0x1] =	wrdreg $0xFFFFFFFF  }
0xad: {  	[dreg:$0x0] =	wrdreg $0x60  }
0xae: {  	[dreg:$0x2] =	wrdreg s24  }
0xaf: {  	[dreg:$0x3] =	wrdreg s2  }
0xb0: {  	[dreg:$0x4] =	wrdreg $0x9  }
0xb1: {  	_ =	task.clear_ibuf [dreg:s7], $0x5FFFF;
	_ =	strace $0x90000046  }
0xb2: {  	s29 =	simm.s32 $0x9;
	_ =	strace $0x80000048  }
0xb3: {  	_ =	swait.ge [sflag:s29], $0x1  }
0xb4: {  	[sflag:s29] =	ssyncadd.s32 $0xFFFFFFFF  }
0xb5: {  	_ =	strace $0x90000048  }
0xb6: {  	_ =	sfence  }
0xb7: {  	s30 =	sld [smem:$0x0];
	_ =	sdelay $0x2  }
0xb8: {  	s31 =	sshll.u32 s1, $0xD;
	s1 =	sshrl.u32 s1, $0x2  }
0xb9: {  	s3 =	sand.u32 $0x4000, s31;
	s1 =	sadd.s32 s1, s30  }
0xba: {  	s0 =	sor.u32 s3, s0;
	s1 =	sshll.u32 s1, $0x11  }
0xbb: {  	s0 =	sor.u32 s1, s0  }
0xbc: {  	s0 =	sadd.s32 $0x8F2B, s0  }
0xbd: {  	[sflag:s0] =	ssyncadd.remote.s32 $0x1  }
0xbe: {  	_ =	sfence.sel $0xFFFF  }
0xbf: {  	[dreg:$0x0] =	wrdreg $0xFFFFFFFF;
	(pc) =	sbr.abs _section_cstart, $3  }
0xc0: {  	[dreg:$0x1] =	wrdreg $0xFFFFFFFF  }
0xc1: {  	_ =	task.clear_ibuf [dreg:s7], $0x2FFFF;
	_ =	strace $0x9FFFFFFF  }
0xc2: {  	(tm) =	ssettm $0x7FFFFFFF  }
0xc3: {  	_ =	shalt  }
tec
execute0_lowered:
.L_overlay_start_1:
0x0: {  	(tag) =	ssettag $0x1  }
0x1: {  	s0 =	rddreg [dreg:$0x0]  }
0x2: {  	s1 =	rddreg [dreg:$0x1]  }
0x3: {  	s2 =	simm.s32 $0x0;
	s4 =	srdreg.scid;
	s6 =	stileid.u32  }
0x4: {  	s10 =	simm.s32 $0x2;
	s11 =	simm.s32 $0x1B400;
	s12 =	simm.s32 $0x80  }
0x5: {  	s14 =	simm.s32 $0x1C00;
	s24 =	simm.s32 $0x17400;
	s25 =	simm.s32 $0x1A00  }
0x6: {  	s26 =	simm.s32 $0x17C00;
	s28 =	simm.s32 $0x1A80;
	s29 =	simm.s32 $0x18400  }
0x7: {  	s30 =	simm.s32 $0x1B00;
	s31 =	simm.s32 $0x18C00;
	s13 =	simm.s32 $0x1  }
0x8: {  	s15 =	simm.s32 $0x19C00;
	s16 =	simm.s32 $0x1A400;
	s17 =	simm.s32 $0x1AC00  }
0x9: {  	v0 =	vlaneseq.u32;
	s18 =	simm.s32 $0x0;
	[smem:$0x7FF] =	sst s2;
	s3 =	sadd.s32 $0x16EA00, s0  }
0xa: {  	s5 =	sand.u32 $0x1, s4;
	s6 =	sshll.u32 s6, $0x1;
	s4 =	sadd.s32 $0xE00, s0;
	v0 =	vmul.u32 $0x10, v0  }
0xb: {  	_ =	strace $0x80000047;
	s6 =	sor.u32 s5, s6;
	s5 =	ssub.s32 $0x2, s5  }
0xc: {  	s7 =	sshll.u32 s6, $0x6;
	s8 =	sshrl.u32 s5, $0x1;
	s6 =	sshll.u32 s6, $0x8;
	v1 =	vor.u32 $0x16000, v0;
	v2 =	vor.u32 $0x14000, v0  }
0xd: {  	v3 =	vor.u32 $0x12000, v0;
	v4 =	vor.u32 $0x10000, v0;
	v5 =	vor.u32 $0xE000, v0;
	s0 =	sadd.s32 s7, s0;
	s9 =	ssub.s32 s5, s8;
	s5 =	sadd.s32 s1, s6  }
0xe: {  	v6 =	vor.u32 $0xC000, v0;
	v7 =	vor.u32 $0xA000, v0;
	v8 =	vor.u32 $0x8000, v0;
	s1 =	simm.s32 $0x19400;
	s6 =	sadd.s32 $0x600, s0;
	s7 =	sadd.s32 $0x2000, s5  }
0xf: {  	v9 =	vor.u32 $0x6000, v0;
	v10 =	vor.u32 $0x4000, v0;
	v11 =	vor.u32 $0x2000, v0;
	s8 =	sadd.s32 $0x4000, s5;
	s9 =	smax.u32 s9, $0x1;
	s0 =	simm.s32 $0x1B80  }
.LBB2_1:
0x10: {  	[tilespmem:s2], [sflag:$0x2] =	stream.linear.gather [hbm4b:s6+s2], $0x200, $0x38;
	[tilespmem:$0x1B700] =	vst v63  }
0x11: {  	_ =	swait.ge [sflag:s10], $0x200  }
0x12: {  	[sflag:s10] =	ssyncset.done $0x0  }
0x13: {  	[sflag:s10] =	ssyncadd.s32 $0xFFFFFE00  }
0x14: {  	[tilespmem:s11], [sflag:$0x2] =	stream.linear.gather [hbm4b:s4+s2], $0x300, $0x38;
	[tilespmem:$0x1B700] =	vst v63  }
0x15: {  	_ =	swait.ge [sflag:s10], $0x300  }
0x16: {  	[sflag:s10] =	ssyncset.done $0x0  }
0x17: {  	s19 =	simm.s32 $0x0;
	[sflag:s10] =	ssyncadd.s32 $0xFFFFFD00  }
0x18: {  	v12 =	vld [tilespmem:s19+$0x0];
	_ =	sdelay $0x4  }
0x19: {  	v13 =	vand.u32 $0xF, v12;
	v14 =	vshra.s32 v12, $0x4;
	vm0 =	vgt.s32 v12, $0xF41FF  }
0x1a: {  	[tilespmem:s19+$0x200] =	vst v13;
	v12 =	vsel vm0, $0x0, v14  }
0x1b: {  	[tilespmem:s19+$0x400] =	vst v12;
	v13 =	vadd.s32 $0xA7D60, v12  }
0x1c: {  	v14 =	vadd.s32 $0xF420, v12;
	[tilespmem:s19+$0x1A00] =	vst v13  }
0x1d: {  	v15 =	vadd.s32 $0x2DC60, v12;
	[tilespmem:s19+$0x600] =	vst v14  }
0x1e: {  	v18 =	vadd.s32 $0x3D080, v12;
	v16 =	vadd.s32 $0x5B8C0, v12;
	[tilespmem:s19+$0xA00] =	vst v15  }
0x1f: {  	v17 =	vadd.s32 $0x89520, v12;
	v13 =	vadd.s32 $0x1E840, v12;
	v14 =	vadd.s32 $0x6ACE0, v12;
	[tilespmem:s19+$0xC00] =	vst v18  }
0x20: {  	s20 =	simm.s32 $0x10;
	s21 =	simm.s32 $0x80;
	v15 =	vadd.s32 $0x7A100, v12;
	[tilespmem:s19+$0x800] =	vst v13;
	v13 =	vadd.s32 $0x4C4A0, v12;
	v12 =	vadd.s32 $0x98940, v12  }
.LBB2_2:
0x21: {  	p0 =	sne.s32 s21, $0x7C0;
	v18 =	vld [tilespmem:s20+$0x0];
	[tilespmem:s19+$0xE00] =	vst v13  }
0x22: {  	[tilespmem:s19+$0x1000] =	vst v16  }
0x23: {  	[tilespmem:s19+$0x1200] =	vst v14  }
0x24: {  	[tilespmem:s19+$0x1400] =	vst v15  }
0x25: {  	[tilespmem:s19+$0x1600] =	vst v17  }
0x26: {  	v13 =	vand.u32 $0xF, v18;
	v14 =	vshra.s32 v18, $0x4;
	vm0 =	vgt.s32 v18, $0xF41FF;
	[tilespmem:s19+$0x1800] =	vst v12;
	s19 =	smov.u32 s20  }
0x27: {  	[tilespmem:s19+$0x200] =	vst v13;
	v12 =	vsel vm0, $0x0, v14  }
0x28: {  	[tilespmem:s19+$0x400] =	vst v12;
	v14 =	vadd.s32 $0xF420, v12;
	v17 =	vadd.s32 $0x1E840, v12;
	v15 =	vadd.s32 $0xA7D60, v12  }
.Ltmp0:
0x29: {  	v18 =	vadd.s32 $0x2DC60, v12;
	v19 =	vadd.s32 $0x3D080, v12;
	v13 =	vadd.s32 $0x4C4A0, v12;
	[tilespmem:s19+$0x1A00] =	vst v15;
	(pc) =	sbr.rel @p0 .LBB2_2-.Ltmp0, $4  }
0x2a: {  	v16 =	vadd.s32 $0x5B8C0, v12;
	v15 =	vadd.s32 $0x7A100, v12;
	[tilespmem:s19+$0x600] =	vst v14;
	v14 =	vadd.s32 $0x6ACE0, v12  }
0x2b: {  	[tilespmem:s19+$0x800] =	vst v17;
	v17 =	vadd.s32 $0x89520, v12;
	v12 =	vadd.s32 $0x98940, v12  }
0x2c: {  	[tilespmem:s19+$0xA00] =	vst v18  }
0x2d: {  	s20 =	sshra.s32 s21, $0x2;
	s21 =	sadd.s32 $0x40, s21;
	[tilespmem:s19+$0xC00] =	vst v19  }
0x2e: {  	v18 =	vld [tilespmem:s20+$0x0];
	[tilespmem:s19+$0xE00] =	vst v13  }
0x2f: {  	[tilespmem:s19+$0x1000] =	vst v16  }
0x30: {  	[tilespmem:s19+$0x1200] =	vst v14  }
0x31: {  	[tilespmem:s19+$0x1400] =	vst v15  }
0x32: {  	[tilespmem:s19+$0x1600] =	vst v17  }
0x33: {  	[tilespmem:s19+$0x1800] =	vst v12;
	v13 =	vand.u32 $0xF, v18;
	v14 =	vshra.s32 v18, $0x4;
	vm0 =	vgt.s32 v18, $0xF41FF  }
0x34: {  	[tilespmem:s20+$0x200] =	vst v13;
	v12 =	vsel vm0, $0x0, v14  }
0x35: {  	[tilespmem:s20+$0x400] =	vst v12;
	v13 =	vadd.s32 $0xA7D60, v12  }
0x36: {  	v14 =	vadd.s32 $0xF420, v12;
	[tilespmem:s20+$0x1A00] =	vst v13  }
0x37: {  	v13 =	vadd.s32 $0x1E840, v12;
	[tilespmem:s20+$0x600] =	vst v14  }
0x38: {  	v14 =	vadd.s32 $0x2DC60, v12;
	[tilespmem:s20+$0x800] =	vst v13  }
0x39: {  	v13 =	vadd.s32 $0x3D080, v12;
	[tilespmem:s20+$0xA00] =	vst v14  }
0x3a: {  	v14 =	vadd.s32 $0x4C4A0, v12;
	[tilespmem:s20+$0xC00] =	vst v13  }
0x3b: {  	v13 =	vadd.s32 $0x5B8C0, v12;
	[tilespmem:s20+$0xE00] =	vst v14  }
0x3c: {  	v14 =	vadd.s32 $0x6ACE0, v12;
	[tilespmem:s20+$0x1000] =	vst v13  }
0x3d: {  	v13 =	vadd.s32 $0x7A100, v12;
	[tilespmem:s20+$0x1200] =	vst v14  }
0x3e: {  	v14 =	vadd.s32 $0x89520, v12;
	[tilespmem:s20+$0x1400] =	vst v13  }
0x3f: {  	v12 =	vadd.s32 $0x98940, v12;
	[tilespmem:s20+$0x1600] =	vst v14  }
0x40: {  	s23 =	simm.s32 $0x400;
	[tilespmem:s20+$0x1800] =	vst v12  }
0x41: {  	[tilespmem:s14], [sflag:$0x1] =	stream.indirect.gather [hbm4b:s3+s12], $0x10, s23, s12, $0xb8;
	[tilespmem:$0x1B700] =	vst v63  }
0x42: {  	s21 =	simm.s32 $0x2400;
	s20 =	simm.s32 $0x480  }
0x43: {  	[tilespmem:s21], [sflag:$0x1] =	stream.indirect.gather [hbm4b:s3+s12], $0x10, s20, s12, $0xb8;
	[tilespmem:$0x1B700] =	vst v63  }
0x44: {  	s22 =	simm.s32 $0x500;
	s23 =	simm.s32 $0x2C00  }
0x45: {  	[tilespmem:s23], [sflag:$0x1] =	stream.indirect.gather [hbm4b:s3+s12], $0x10, s22, s12, $0xb8;
	[tilespmem:$0x1B700] =	vst v63  }
0x46: {  	s20 =	simm.s32 $0x580;
	s21 =	simm.s32 $0x3400  }
0x47: {  	[tilespmem:s21], [sflag:$0x1] =	stream.indirect.gather [hbm4b:s3+s12], $0x10, s20, s12, $0xb8;
	[tilespmem:$0x1B700] =	vst v63  }
0x48: {  	s22 =	simm.s32 $0x600;
	s23 =	simm.s32 $0x3C00  }
0x49: {  	[tilespmem:s23], [sflag:$0x1] =	stream.indirect.gather [hbm4b:s3+s12], $0x10, s22, s12, $0xb8;
	[tilespmem:$0x1B700] =	vst v63  }
0x4a: {  	s20 =	simm.s32 $0x680;
	s21 =	simm.s32 $0x4400  }
0x4b: {  	[tilespmem:s21], [sflag:$0x1] =	stream.indirect.gather [hbm4b:s3+s12], $0x10, s20, s12, $0xb8;
	[tilespmem:$0x1B700] =	vst v63  }
0x4c: {  	s22 =	simm.s32 $0x700;
	s23 =	simm.s32 $0x4C00  }
0x4d: {  	[tilespmem:s23], [sflag:$0x1] =	stream.indirect.gather [hbm4b:s3+s12], $0x10, s22, s12, $0xb8;
	[tilespmem:$0x1B700] =	vst v63  }
0x4e: {  	s20 =	simm.s32 $0x780;
	s21 =	simm.s32 $0x5400  }
0x4f: {  	[tilespmem:s21], [sflag:$0x1] =	stream.indirect.gather [hbm4b:s3+s12], $0x10, s20, s12, $0xb8;
	[tilespmem:$0x1B700] =	vst v63  }
0x50: {  	s22 =	simm.s32 $0x800;
	s23 =	simm.s32 $0x5C00  }
0x51: {  	[tilespmem:s23], [sflag:$0x1] =	stream.indirect.gather [hbm4b:s3+s12], $0x10, s22, s12, $0xb8;
	[tilespmem:$0x1B700] =	vst v63  }
0x52: {  	s20 =	simm.s32 $0x880;
	s21 =	simm.s32 $0x6400  }
0x53: {  	[tilespmem:s21], [sflag:$0x1] =	stream.indirect.gather [hbm4b:s3+s12], $0x10, s20, s12, $0xb8;
	[tilespmem:$0x1B700] =	vst v63  }
0x54: {  	s22 =	simm.s32 $0x900;
	s23 =	simm.s32 $0x6C00  }
0x55: {  	[tilespmem:s23], [sflag:$0x1] =	stream.indirect.gather [hbm4b:s3+s12], $0x10, s22, s12, $0xb8;
	[tilespmem:$0x1B700] =	vst v63  }
0x56: {  	s20 =	simm.s32 $0x980;
	s21 =	simm.s32 $0x7400  }
0x57: {  	[tilespmem:s21], [sflag:$0x1] =	stream.indirect.gather [hbm4b:s3+s12], $0x10, s20, s12, $0xb8;
	[tilespmem:$0x1B700] =	vst v63  }
0x58: {  	s22 =	simm.s32 $0xA00;
	s23 =	simm.s32 $0x7C00  }
0x59: {  	[tilespmem:s23], [sflag:$0x1] =	stream.indirect.gather [hbm4b:s3+s12], $0x10, s22, s12, $0xb8;
	[tilespmem:$0x1B700] =	vst v63  }
0x5a: {  	s20 =	simm.s32 $0xA80;
	s21 =	simm.s32 $0x8400  }
0x5b: {  	[tilespmem:s21], [sflag:$0x1] =	stream.indirect.gather [hbm4b:s3+s12], $0x10, s20, s12, $0xb8;
	[tilespmem:$0x1B700] =	vst v63  }
0x5c: {  	s22 =	simm.s32 $0xB00;
	s23 =	simm.s32 $0x8C00  }
0x5d: {  	[tilespmem:s23], [sflag:$0x1] =	stream.indirect.gather [hbm4b:s3+s12], $0x10, s22, s12, $0xb8;
	[tilespmem:$0x1B700] =	vst v63  }
0x5e: {  	s20 =	simm.s32 $0xB80;
	s21 =	simm.s32 $0x9400  }
0x5f: {  	[tilespmem:s21], [sflag:$0x1] =	stream.indirect.gather [hbm4b:s3+s12], $0x10, s20, s12, $0xb8;
	[tilespmem:$0x1B700] =	vst v63  }
0x60: {  	s22 =	simm.s32 $0xC00;
	s23 =	simm.s32 $0x9C00  }
0x61: {  	[tilespmem:s23], [sflag:$0x1] =	stream.indirect.gather [hbm4b:s3+s12], $0x10, s22, s12, $0xb8;
	[tilespmem:$0x1B700] =	vst v63  }
0x62: {  	s20 =	simm.s32 $0xC80;
	s21 =	simm.s32 $0xA400  }
0x63: {  	[tilespmem:s21], [sflag:$0x1] =	stream.indirect.gather [hbm4b:s3+s12], $0x10, s20, s12, $0xb8;
	[tilespmem:$0x1B700] =	vst v63  }
0x64: {  	s22 =	simm.s32 $0xD00;
	s23 =	simm.s32 $0xAC00  }
0x65: {  	[tilespmem:s23], [sflag:$0x1] =	stream.indirect.gather [hbm4b:s3+s12], $0x10, s22, s12, $0xb8;
	[tilespmem:$0x1B700] =	vst v63  }
0x66: {  	s20 =	simm.s32 $0xD80;
	s21 =	simm.s32 $0xB400  }
0x67: {  	[tilespmem:s21], [sflag:$0x1] =	stream.indirect.gather [hbm4b:s3+s12], $0x10, s20, s12, $0xb8;
	[tilespmem:$0x1B700] =	vst v63  }
0x68: {  	s22 =	simm.s32 $0xE00;
	s23 =	simm.s32 $0xBC00  }
0x69: {  	[tilespmem:s23], [sflag:$0x1] =	stream.indirect.gather [hbm4b:s3+s12], $0x10, s22, s12, $0xb8;
	[tilespmem:$0x1B700] =	vst v63  }
0x6a: {  	s20 =	simm.s32 $0xE80;
	s21 =	simm.s32 $0xC400  }
0x6b: {  	[tilespmem:s21], [sflag:$0x1] =	stream.indirect.gather [hbm4b:s3+s12], $0x10, s20, s12, $0xb8;
	[tilespmem:$0x1B700] =	vst v63  }
0x6c: {  	s22 =	simm.s32 $0xF00;
	s23 =	simm.s32 $0xCC00  }
0x6d: {  	[tilespmem:s23], [sflag:$0x1] =	stream.indirect.gather [hbm4b:s3+s12], $0x10, s22, s12, $0xb8;
	[tilespmem:$0x1B700] =	vst v63  }
0x6e: {  	s20 =	simm.s32 $0xF80;
	s21 =	simm.s32 $0xD400  }
0x6f: {  	[tilespmem:s21], [sflag:$0x1] =	stream.indirect.gather [hbm4b:s3+s12], $0x10, s20, s12, $0xb8;
	[tilespmem:$0x1B700] =	vst v63  }
0x70: {  	s22 =	simm.s32 $0x1000;
	s23 =	simm.s32 $0xDC00  }
0x71: {  	[tilespmem:s23], [sflag:$0x1] =	stream.indirect.gather [hbm4b:s3+s12], $0x10, s22, s12, $0xb8;
	[tilespmem:$0x1B700] =	vst v63  }
0x72: {  	s20 =	simm.s32 $0x1080;
	s21 =	simm.s32 $0xE400  }
0x73: {  	[tilespmem:s21], [sflag:$0x1] =	stream.indirect.gather [hbm4b:s3+s12], $0x10, s20, s12, $0xb8;
	[tilespmem:$0x1B700] =	vst v63  }
0x74: {  	s22 =	simm.s32 $0x1100;
	s23 =	simm.s32 $0xEC00  }
0x75: {  	[tilespmem:s23], [sflag:$0x1] =	stream.indirect.gather [hbm4b:s3+s12], $0x10, s22, s12, $0xb8;
	[tilespmem:$0x1B700] =	vst v63  }
0x76: {  	s20 =	simm.s32 $0x1180;
	s21 =	simm.s32 $0xF400  }
0x77: {  	[tilespmem:s21], [sflag:$0x1] =	stream.indirect.gather [hbm4b:s3+s12], $0x10, s20, s12, $0xb8;
	[tilespmem:$0x1B700] =	vst v63  }
0x78: {  	s22 =	simm.s32 $0x1200;
	s23 =	simm.s32 $0xFC00  }
0x79: {  	[tilespmem:s23], [sflag:$0x1] =	stream.indirect.gather [hbm4b:s3+s12], $0x10, s22, s12, $0xb8;
	[tilespmem:$0x1B700] =	vst v63  }
0x7a: {  	s20 =	simm.s32 $0x1280;
	s21 =	simm.s32 $0x10400  }
0x7b: {  	[tilespmem:s21], [sflag:$0x1] =	stream.indirect.gather [hbm4b:s3+s12], $0x10, s20, s12, $0xb8;
	[tilespmem:$0x1B700] =	vst v63  }
0x7c: {  	s22 =	simm.s32 $0x1300;
	s23 =	simm.s32 $0x10C00  }
0x7d: {  	[tilespmem:s23], [sflag:$0x1] =	stream.indirect.gather [hbm4b:s3+s12], $0x10, s22, s12, $0xb8;
	[tilespmem:$0x1B700] =	vst v63  }
0x7e: {  	s20 =	simm.s32 $0x1380;
	s21 =	simm.s32 $0x11400  }
0x7f: {  	[tilespmem:s21], [sflag:$0x1] =	stream.indirect.gather [hbm4b:s3+s12], $0x10, s20, s12, $0xb8;
	[tilespmem:$0x1B700] =	vst v63  }
0x80: {  	s22 =	simm.s32 $0x1400;
	s23 =	simm.s32 $0x11C00  }
0x81: {  	[tilespmem:s23], [sflag:$0x1] =	stream.indirect.gather [hbm4b:s3+s12], $0x10, s22, s12, $0xb8;
	[tilespmem:$0x1B700] =	vst v63  }
0x82: {  	s20 =	simm.s32 $0x1480;
	s21 =	simm.s32 $0x12400  }
0x83: {  	[tilespmem:s21], [sflag:$0x1] =	stream.indirect.gather [hbm4b:s3+s12], $0x10, s20, s12, $0xb8;
	[tilespmem:$0x1B700] =	vst v63  }
0x84: {  	s22 =	simm.s32 $0x1500;
	s23 =	simm.s32 $0x12C00  }
0x85: {  	[tilespmem:s23], [sflag:$0x1] =	stream.indirect.gather [hbm4b:s3+s12], $0x10, s22, s12, $0xb8;
	[tilespmem:$0x1B700] =	vst v63  }
0x86: {  	s20 =	simm.s32 $0x1580;
	s21 =	simm.s32 $0x13400  }
0x87: {  	[tilespmem:s21], [sflag:$0x1] =	stream.indirect.gather [hbm4b:s3+s12], $0x10, s20, s12, $0xb8;
	[tilespmem:$0x1B700] =	vst v63  }
0x88: {  	s22 =	simm.s32 $0x1600;
	s23 =	simm.s32 $0x13C00  }
0x89: {  	[tilespmem:s23], [sflag:$0x1] =	stream.indirect.gather [hbm4b:s3+s12], $0x10, s22, s12, $0xb8;
	[tilespmem:$0x1B700] =	vst v63  }
0x8a: {  	s20 =	simm.s32 $0x1680;
	s21 =	simm.s32 $0x14400  }
0x8b: {  	[tilespmem:s21], [sflag:$0x1] =	stream.indirect.gather [hbm4b:s3+s12], $0x10, s20, s12, $0xb8;
	[tilespmem:$0x1B700] =	vst v63  }
0x8c: {  	s22 =	simm.s32 $0x1700;
	s23 =	simm.s32 $0x14C00  }
0x8d: {  	[tilespmem:s23], [sflag:$0x1] =	stream.indirect.gather [hbm4b:s3+s12], $0x10, s22, s12, $0xb8;
	[tilespmem:$0x1B700] =	vst v63  }
0x8e: {  	s20 =	simm.s32 $0x1780;
	s21 =	simm.s32 $0x15400  }
0x8f: {  	[tilespmem:s21], [sflag:$0x1] =	stream.indirect.gather [hbm4b:s3+s12], $0x10, s20, s12, $0xb8;
	[tilespmem:$0x1B700] =	vst v63  }
0x90: {  	s22 =	simm.s32 $0x1800;
	s23 =	simm.s32 $0x15C00  }
0x91: {  	[tilespmem:s23], [sflag:$0x1] =	stream.indirect.gather [hbm4b:s3+s12], $0x10, s22, s12, $0xb8;
	[tilespmem:$0x1B700] =	vst v63  }
0x92: {  	s20 =	simm.s32 $0x1880;
	s21 =	simm.s32 $0x16400  }
0x93: {  	[tilespmem:s21], [sflag:$0x1] =	stream.indirect.gather [hbm4b:s3+s12], $0x10, s20, s12, $0xb8;
	[tilespmem:$0x1B700] =	vst v63  }
0x94: {  	s22 =	simm.s32 $0x1900;
	s23 =	simm.s32 $0x16C00  }
0x95: {  	[tilespmem:s23], [sflag:$0x1] =	stream.indirect.gather [hbm4b:s3+s12], $0x10, s22, s12, $0xb8;
	[tilespmem:$0x1B700] =	vst v63  }
0x96: {  	s21 =	simm.s32 $0x1980  }
0x97: {  	[tilespmem:s24], [sflag:$0x1] =	stream.indirect.gather [hbm4b:s3+s12], $0x10, s21, s12, $0xb8;
	[tilespmem:$0x1B700] =	vst v63  }
0x98: {  	_ = 	snop  }
0x99: {  	[tilespmem:s26], [sflag:$0x1] =	stream.indirect.gather [hbm4b:s3+s12], $0x10, s25, s12, $0xb8;
	[tilespmem:$0x1B700] =	vst v63  }
0x9a: {  	_ = 	snop  }
0x9b: {  	[tilespmem:s29], [sflag:$0x1] =	stream.indirect.gather [hbm4b:s3+s12], $0x10, s28, s12, $0xb8;
	[tilespmem:$0x1B700] =	vst v63  }
0x9c: {  	_ = 	snop  }
0x9d: {  	[tilespmem:s31], [sflag:$0x1] =	stream.indirect.gather [hbm4b:s3+s12], $0x10, s30, s12, $0xb8;
	[tilespmem:$0x1B700] =	vst v63  }
0x9e: {  	_ = 	snop  }
0x9f: {  	[tilespmem:s1], [sflag:$0x1] =	stream.indirect.gather [hbm4b:s3+s12], $0x10, s0, s12, $0xb8;
	[tilespmem:$0x1B700] =	vst v63  }
0xa0: {  	_ =	swait.ge [sflag:s13], $0x800  }
0xa1: {  	[sflag:s13] =	ssyncset.done $0x0  }
0xa2: {  	[sflag:s13] =	ssyncadd.s32 $0xFFFFF800  }
0xa3: {  	_ =	swait.ge [sflag:s13], $0x800  }
0xa4: {  	[sflag:s13] =	ssyncset.done $0x0  }
0xa5: {  	[sflag:s13] =	ssyncadd.s32 $0xFFFFF800  }
0xa6: {  	_ =	swait.ge [sflag:s13], $0x800  }
0xa7: {  	[sflag:s13] =	ssyncset.done $0x0  }
0xa8: {  	[sflag:s13] =	ssyncadd.s32 $0xFFFFF800  }
0xa9: {  	_ =	swait.ge [sflag:s13], $0x800  }
0xaa: {  	[sflag:s13] =	ssyncset.done $0x0  }
0xab: {  	[sflag:s13] =	ssyncadd.s32 $0xFFFFF800  }
0xac: {  	_ =	swait.ge [sflag:s13], $0x800  }
0xad: {  	[sflag:s13] =	ssyncset.done $0x0  }
0xae: {  	[sflag:s13] =	ssyncadd.s32 $0xFFFFF800  }
0xaf: {  	_ =	swait.ge [sflag:s13], $0x800  }
0xb0: {  	[sflag:s13] =	ssyncset.done $0x0  }
0xb1: {  	[sflag:s13] =	ssyncadd.s32 $0xFFFFF800  }
0xb2: {  	_ =	swait.ge [sflag:s13], $0x800  }
0xb3: {  	[sflag:s13] =	ssyncset.done $0x0  }
0xb4: {  	[sflag:s13] =	ssyncadd.s32 $0xFFFFF800  }
0xb5: {  	_ =	swait.ge [sflag:s13], $0x800  }
0xb6: {  	[sflag:s13] =	ssyncset.done $0x0  }
0xb7: {  	[sflag:s13] =	ssyncadd.s32 $0xFFFFF800  }
0xb8: {  	_ =	swait.ge [sflag:s13], $0x800  }
0xb9: {  	[sflag:s13] =	ssyncset.done $0x0  }
0xba: {  	[sflag:s13] =	ssyncadd.s32 $0xFFFFF800  }
0xbb: {  	_ =	swait.ge [sflag:s13], $0x800  }
0xbc: {  	[sflag:s13] =	ssyncset.done $0x0  }
0xbd: {  	[sflag:s13] =	ssyncadd.s32 $0xFFFFF800  }
0xbe: {  	_ =	swait.ge [sflag:s13], $0x800  }
0xbf: {  	[sflag:s13] =	ssyncset.done $0x0  }
0xc0: {  	[sflag:s13] =	ssyncadd.s32 $0xFFFFF800  }
0xc1: {  	_ =	swait.ge [sflag:s13], $0x800  }
0xc2: {  	[sflag:s13] =	ssyncset.done $0x0  }
0xc3: {  	[sflag:s13] =	ssyncadd.s32 $0xFFFFF800  }
0xc4: {  	_ =	swait.ge [sflag:s13], $0x800  }
0xc5: {  	[sflag:s13] =	ssyncset.done $0x0  }
0xc6: {  	[sflag:s13] =	ssyncadd.s32 $0xFFFFF800  }
0xc7: {  	_ =	swait.ge [sflag:s13], $0x800  }
0xc8: {  	[sflag:s13] =	ssyncset.done $0x0  }
0xc9: {  	[sflag:s13] =	ssyncadd.s32 $0xFFFFF800  }
0xca: {  	_ =	swait.ge [sflag:s13], $0x800  }
0xcb: {  	[sflag:s13] =	ssyncset.done $0x0  }
0xcc: {  	[sflag:s13] =	ssyncadd.s32 $0xFFFFF800  }
0xcd: {  	_ =	swait.ge [sflag:s13], $0x800  }
0xce: {  	[sflag:s13] =	ssyncset.done $0x0  }
0xcf: {  	[sflag:s13] =	ssyncadd.s32 $0xFFFFF800  }
0xd0: {  	_ =	swait.ge [sflag:s13], $0x800  }
0xd1: {  	[sflag:s13] =	ssyncset.done $0x0  }
0xd2: {  	[sflag:s13] =	ssyncadd.s32 $0xFFFFF800  }
0xd3: {  	_ =	swait.ge [sflag:s13], $0x800  }
0xd4: {  	[sflag:s13] =	ssyncset.done $0x0  }
0xd5: {  	[sflag:s13] =	ssyncadd.s32 $0xFFFFF800  }
0xd6: {  	_ =	swait.ge [sflag:s13], $0x800  }
0xd7: {  	[sflag:s13] =	ssyncset.done $0x0  }
0xd8: {  	[sflag:s13] =	ssyncadd.s32 $0xFFFFF800  }
0xd9: {  	_ =	swait.ge [sflag:s13], $0x800  }
0xda: {  	[sflag:s13] =	ssyncset.done $0x0  }
0xdb: {  	[sflag:s13] =	ssyncadd.s32 $0xFFFFF800  }
0xdc: {  	_ =	swait.ge [sflag:s13], $0x800  }
0xdd: {  	[sflag:s13] =	ssyncset.done $0x0  }
0xde: {  	[sflag:s13] =	ssyncadd.s32 $0xFFFFF800  }
0xdf: {  	_ =	swait.ge [sflag:s13], $0x800  }
0xe0: {  	[sflag:s13] =	ssyncset.done $0x0  }
0xe1: {  	[sflag:s13] =	ssyncadd.s32 $0xFFFFF800  }
0xe2: {  	_ =	swait.ge [sflag:s13], $0x800  }
0xe3: {  	[sflag:s13] =	ssyncset.done $0x0  }
0xe4: {  	[sflag:s13] =	ssyncadd.s32 $0xFFFFF800  }
0xe5: {  	_ =	swait.ge [sflag:s13], $0x800  }
0xe6: {  	[sflag:s13] =	ssyncset.done $0x0  }
0xe7: {  	[sflag:s13] =	ssyncadd.s32 $0xFFFFF800  }
0xe8: {  	_ =	swait.ge [sflag:s13], $0x800  }
0xe9: {  	[sflag:s13] =	ssyncset.done $0x0  }
0xea: {  	[sflag:s13] =	ssyncadd.s32 $0xFFFFF800  }
0xeb: {  	_ =	swait.ge [sflag:s13], $0x800  }
0xec: {  	[sflag:s13] =	ssyncset.done $0x0  }
0xed: {  	[sflag:s13] =	ssyncadd.s32 $0xFFFFF800  }
0xee: {  	_ =	swait.ge [sflag:s13], $0x800  }
0xef: {  	[sflag:s13] =	ssyncset.done $0x0  }
0xf0: {  	[sflag:s13] =	ssyncadd.s32 $0xFFFFF800  }
0xf1: {  	_ =	swait.ge [sflag:s13], $0x800  }
0xf2: {  	[sflag:s13] =	ssyncset.done $0x0  }
0xf3: {  	[sflag:s13] =	ssyncadd.s32 $0xFFFFF800  }
0xf4: {  	_ =	swait.ge [sflag:s13], $0x800  }
0xf5: {  	[sflag:s13] =	ssyncset.done $0x0  }
0xf6: {  	[sflag:s13] =	ssyncadd.s32 $0xFFFFF800  }
0xf7: {  	_ =	swait.ge [sflag:s13], $0x800  }
0xf8: {  	[sflag:s13] =	ssyncset.done $0x0  }
0xf9: {  	[sflag:s13] =	ssyncadd.s32 $0xFFFFF800  }
0xfa: {  	_ =	swait.ge [sflag:s13], $0x800  }
0xfb: {  	[sflag:s13] =	ssyncset.done $0x0  }
0xfc: {  	[sflag:s13] =	ssyncadd.s32 $0xFFFFF800  }
0xfd: {  	_ =	swait.ge [sflag:s13], $0x800  }
0xfe: {  	[sflag:s13] =	ssyncset.done $0x0  }
0xff: {  	[sflag:s13] =	ssyncadd.s32 $0xFFFFF800  }
0x100: {  	_ =	swait.ge [sflag:s13], $0x800  }
0x101: {  	[sflag:s13] =	ssyncset.done $0x0  }
0x102: {  	[sflag:s13] =	ssyncadd.s32 $0xFFFFF800  }
0x103: {  	_ =	swait.ge [sflag:s13], $0x800  }
0x104: {  	[sflag:s13] =	ssyncset.done $0x0  }
0x105: {  	[sflag:s13] =	ssyncadd.s32 $0xFFFFF800  }
0x106: {  	_ =	swait.ge [sflag:s13], $0x800  }
0x107: {  	[sflag:s13] =	ssyncset.done $0x0  }
0x108: {  	[sflag:s13] =	ssyncadd.s32 $0xFFFFF800  }
0x109: {  	_ =	swait.ge [sflag:s13], $0x800  }
0x10a: {  	[sflag:s13] =	ssyncset.done $0x0  }
0x10b: {  	[sflag:s13] =	ssyncadd.s32 $0xFFFFF800  }
0x10c: {  	_ =	swait.ge [sflag:s13], $0x800  }
0x10d: {  	[sflag:s13] =	ssyncset.done $0x0  }
0x10e: {  	[sflag:s13] =	ssyncadd.s32 $0xFFFFF800  }
0x10f: {  	_ =	swait.ge [sflag:s13], $0x800  }
0x110: {  	[sflag:s13] =	ssyncset.done $0x0  }
0x111: {  	[sflag:s13] =	ssyncadd.s32 $0xFFFFF800  }
0x112: {  	_ =	swait.ge [sflag:s13], $0x800  }
0x113: {  	[sflag:s13] =	ssyncset.done $0x0  }
0x114: {  	[sflag:s13] =	ssyncadd.s32 $0xFFFFF800  }
0x115: {  	_ =	swait.ge [sflag:s13], $0x800  }
0x116: {  	[sflag:s13] =	ssyncset.done $0x0  }
0x117: {  	[sflag:s13] =	ssyncadd.s32 $0xFFFFF800  }
0x118: {  	_ =	swait.ge [sflag:s13], $0x800  }
0x119: {  	[sflag:s13] =	ssyncset.done $0x0  }
0x11a: {  	[sflag:s13] =	ssyncadd.s32 $0xFFFFF800  }
0x11b: {  	_ =	swait.ge [sflag:s13], $0x800  }
0x11c: {  	[sflag:s13] =	ssyncset.done $0x0  }
0x11d: {  	[sflag:s13] =	ssyncadd.s32 $0xFFFFF800  }
0x11e: {  	_ =	swait.ge [sflag:s13], $0x800  }
0x11f: {  	[sflag:s13] =	ssyncset.done $0x0  }
0x120: {  	[sflag:s13] =	ssyncadd.s32 $0xFFFFF800  }
0x121: {  	_ =	swait.ge [sflag:s13], $0x800  }
0x122: {  	[sflag:s13] =	ssyncset.done $0x0  }
0x123: {  	[sflag:s13] =	ssyncadd.s32 $0xFFFFF800  }
0x124: {  	_ =	swait.ge [sflag:s13], $0x800  }
0x125: {  	[sflag:s13] =	ssyncset.done $0x0  }
0x126: {  	[sflag:s13] =	ssyncadd.s32 $0xFFFFF800  }
0x127: {  	_ =	swait.ge [sflag:s13], $0x800  }
0x128: {  	[sflag:s13] =	ssyncset.done $0x0  }
0x129: {  	[sflag:s13] =	ssyncadd.s32 $0xFFFFF800  }
0x12a: {  	_ =	swait.ge [sflag:s13], $0x800  }
0x12b: {  	[sflag:s13] =	ssyncset.done $0x0  }
0x12c: {  	[sflag:s13] =	ssyncadd.s32 $0xFFFFF800  }
0x12d: {  	_ =	swait.ge [sflag:s13], $0x800  }
0x12e: {  	[sflag:s13] =	ssyncset.done $0x0  }
0x12f: {  	s22 =	simm.s32 $0x0;
	[sflag:s13] =	ssyncadd.s32 $0xFFFFF800  }
0x130: {  	v12 =	vld [tilespmem:s22+$0x200]  }
0x131: {  	v13 =	vld [tilespmem:s22+$0x0]  }
0x132: {  	s19 =	simm.s32 $0x0  }
0x133: {  	v14 =	vmov s19  }
0x134: {  	v14 =	vshll.u32 v14, $0x4  }
0x135: {  	v15 =	vor.u32 v0, v14;
	v16 =	vand.u32 $0xFFFFFFF8, v12  }
0x136: {  	vm0 =	vgt.s32 v13, $0xF4200;
	v17 =	vand.u32 $0x7, v12;
	v15 =	vadd.s32 v15, v16  }
0x137: {  	v12 =	vnsel vm0, $0xF4200, v13;
	v15 =	vor.u32 v17, v15  }
0x138: {  	v18 =	vadd.s32 $0xFFF0BE00, v12;
	_ =	sdelay $0x3  }
0x139: {  	v15 =	vld.idx.msk [tilespmem:v15+s14+$0x0], $0xffff  }
0x13a: {  	v19 =	vadd.s32 v11, v14;
	v18 =	vld.idx.msk [tilespmem:v18+s11+$0x0], $0xffff  }
0x13b: {  	v19 =	vadd.s32 v19, v16  }
0x13c: {  	v19 =	vor.u32 v17, v19  }
0x13d: {  	v20 =	vadd.s32 $0xFFF0BE40, v12  }
0x13e: {  	s23 =	sand.u32 $0x70, s19;
	s21 =	sand.u32 $0x600, s19;
	vm0 =	vgt.s32 v13, $0xF41FF  }
0x13f: {  	s20 =	sor.u32 s23, s21;
	v13 =	vsel vm0, v18, v15  }
0x140: {  	[tilespmem:s20+$0x19C00] =	vst v13  }
0x141: {  	v13 =	vld.idx.msk [tilespmem:v19+s14+$0x0], $0xffff  }
0x142: {  	v15 =	vadd.s32 v10, v14;
	v18 =	vld.idx.msk [tilespmem:v20+s11+$0x0], $0xffff  }
0x143: {  	v15 =	vadd.s32 v15, v16  }
0x144: {  	v15 =	vor.u32 v17, v15  }
0x145: {  	v19 =	vadd.s32 $0xFFF0BE80, v12;
	_ =	sdelay $0x1  }
0x146: {  	s21 =	sadd.s32 $0x19C00, s20;
	v13 =	vsel vm0, v18, v13  }
0x147: {  	[tilespmem:s21+$0x80] =	vst v13  }
0x148: {  	v13 =	vld.idx.msk [tilespmem:v15+s14+$0x0], $0xffff  }
0x149: {  	v15 =	vadd.s32 v9, v14;
	v18 =	vld.idx.msk [tilespmem:v19+s11+$0x0], $0xffff  }
0x14a: {  	v15 =	vadd.s32 v15, v16  }
0x14b: {  	v15 =	vor.u32 v17, v15  }
0x14c: {  	v19 =	vadd.s32 $0xFFF0BEC0, v12;
	_ =	sdelay $0x1  }
0x14d: {  	v13 =	vsel vm0, v18, v13  }
0x14e: {  	[tilespmem:s21+$0x100] =	vst v13  }
0x14f: {  	v13 =	vld.idx.msk [tilespmem:v15+s14+$0x0], $0xffff  }
0x150: {  	v15 =	vadd.s32 v8, v14;
	v18 =	vld.idx.msk [tilespmem:v19+s11+$0x0], $0xffff  }
0x151: {  	v15 =	vadd.s32 v15, v16  }
0x152: {  	v15 =	vor.u32 v17, v15  }
0x153: {  	v19 =	vadd.s32 $0xFFF0BF00, v12;
	_ =	sdelay $0x1  }
0x154: {  	v13 =	vsel vm0, v18, v13  }
0x155: {  	[tilespmem:s21+$0x180] =	vst v13  }
0x156: {  	v13 =	vld.idx.msk [tilespmem:v15+s14+$0x0], $0xffff  }
0x157: {  	v15 =	vadd.s32 v7, v14;
	v18 =	vld.idx.msk [tilespmem:v19+s11+$0x0], $0xffff  }
0x158: {  	v15 =	vadd.s32 v15, v16  }
0x159: {  	v15 =	vor.u32 v17, v15  }
0x15a: {  	v19 =	vadd.s32 $0xFFF0BF40, v12;
	_ =	sdelay $0x1  }
0x15b: {  	v13 =	vsel vm0, v18, v13  }
0x15c: {  	[tilespmem:s20+$0x1A400] =	vst v13  }
0x15d: {  	v13 =	vld.idx.msk [tilespmem:v15+s14+$0x0], $0xffff  }
0x15e: {  	v15 =	vadd.s32 v6, v14;
	v18 =	vld.idx.msk [tilespmem:v19+s11+$0x0], $0xffff  }
0x15f: {  	v15 =	vadd.s32 v15, v16  }
0x160: {  	v15 =	vor.u32 v17, v15  }
0x161: {  	v19 =	vadd.s32 $0xFFF0BF80, v12;
	_ =	sdelay $0x1  }
0x162: {  	v13 =	vsel vm0, v18, v13  }
0x163: {  	[tilespmem:s20+$0x1A480] =	vst v13  }
0x164: {  	v13 =	vld.idx.msk [tilespmem:v15+s14+$0x0], $0xffff  }
0x165: {  	v15 =	vadd.s32 v5, v14;
	v18 =	vld.idx.msk [tilespmem:v19+s11+$0x0], $0xffff  }
0x166: {  	v15 =	vadd.s32 v15, v16  }
0x167: {  	v15 =	vor.u32 v17, v15  }
0x168: {  	v19 =	vadd.s32 $0xFFF0BFC0, v12;
	_ =	sdelay $0x1  }
0x169: {  	v13 =	vsel vm0, v18, v13  }
0x16a: {  	[tilespmem:s20+$0x1A500] =	vst v13  }
0x16b: {  	v13 =	vld.idx.msk [tilespmem:v15+s14+$0x0], $0xffff  }
0x16c: {  	v15 =	vadd.s32 v4, v14;
	v18 =	vld.idx.msk [tilespmem:v19+s11+$0x0], $0xffff  }
0x16d: {  	v15 =	vadd.s32 v15, v16  }
0x16e: {  	v15 =	vor.u32 v17, v15  }
0x16f: {  	v19 =	vadd.s32 $0xFFF0C000, v12;
	_ =	sdelay $0x1  }
0x170: {  	v13 =	vsel vm0, v18, v13  }
0x171: {  	[tilespmem:s20+$0x1A580] =	vst v13  }
0x172: {  	v13 =	vld.idx.msk [tilespmem:v15+s14+$0x0], $0xffff  }
0x173: {  	v18 =	vld.idx.msk [tilespmem:v19+s11+$0x0], $0xffff;
	_ =	sdelay $0x1  }
0x174: {  	v15 =	vadd.s32 v3, v14  }
0x175: {  	v15 =	vadd.s32 v15, v16  }
0x176: {  	v19 =	vadd.s32 v2, v14;
	v14 =	vadd.s32 v1, v14;
	v15 =	vor.u32 v17, v15  }
0x177: {  	v13 =	vsel vm0, v18, v13;
	v18 =	vadd.s32 v19, v16;
	v16 =	vadd.s32 v14, v16  }
0x178: {  	[tilespmem:s20+$0x1AC00] =	vst v13;
	v13 =	vor.u32 v17, v16;
	v16 =	vadd.s32 $0xFFF0C040, v12;
	_ =	sdelay $0x2  }
0x179: {  	s21 =	simm.s32 $0x10;
	v14 =	vor.u32 v17, v18;
	v15 =	vld.idx.msk [tilespmem:v15+s14+$0x0], $0xffff  }
.LBB2_4:
0x17a: {  	p0 =	sne.s32 s21, $0x1F0  }
0x17b: {  	v16 =	vld.idx.msk [tilespmem:v16+s11+$0x0], $0xffff;
	s19 =	sadd.s32 $0x40, s19;
	s22 =	smov.u32 s21;
	s21 =	sadd.s32 $0x10, s21  }
0x17c: {  	_ =	sdelay $0x2  }
0x17d: {  	v17 =	vadd.s32 $0xFFF0C080, v12;
	_ =	sdelay $0x1  }
0x17e: {  	v15 =	vsel vm0, v16, v15  }
0x17f: {  	[tilespmem:s20+$0x1AC80] =	vst v15  }
0x180: {  	v14 =	vld.idx.msk [tilespmem:v14+s14+$0x0], $0xffff  }
0x181: {  	v15 =	vld.idx.msk [tilespmem:v17+s11+$0x0], $0xffff;
	_ =	sdelay $0x2  }
0x182: {  	s23 =	sshra.s32 s19, $0x2  }
0x183: {  	v12 =	vadd.s32 $0xFFF0C0C0, v12;
	_ =	sdelay $0x1  }
0x184: {  	v14 =	vsel vm0, v15, v14  }
0x185: {  	v15 =	vmov s22;
	[tilespmem:s20+$0x1AD00] =	vst v14  }
0x186: {  	v14 =	vshll.u32 v15, $0x4;
	v13 =	vld.idx.msk [tilespmem:v13+s14+$0x0], $0xffff  }
0x187: {  	v15 =	vor.u32 v0, v14;
	v16 =	vadd.s32 v4, v14;
	v12 =	vld.idx.msk [tilespmem:v12+s11+$0x0], $0xffff  }
0x188: {  	v17 =	vadd.s32 v10, v14;
	v18 =	vadd.s32 v6, v14  }
0x189: {  	v19 =	vadd.s32 v11, v14;
	v20 =	vadd.s32 v8, v14;
	v21 =	vadd.s32 v3, v14  }
0x18a: {  	v22 =	vadd.s32 v9, v14;
	_ =	sdelay $0x2  }
0x18b: {  	v12 =	vsel vm0, v12, v13  }
0x18c: {  	[tilespmem:s20+$0x1AD80] =	vst v12  }
0x18d: {  	v12 =	vld [tilespmem:s23+$0x200]  }
0x18e: {  	v23 =	vld [tilespmem:s23+$0x0];
	_ =	sdelay $0x2  }
0x18f: {  	v24 =	vadd.s32 v1, v14;
	v13 =	vadd.s32 v2, v14  }
0x190: {  	v26 =	vadd.s32 v7, v14;
	v14 =	vadd.s32 v5, v14;
	v25 =	vand.u32 $0xFFFFFFF8, v12  }
0x191: {  	v27 =	vand.u32 $0x7, v12;
	vm0 =	vgt.s32 v23, $0xF4200;
	v15 =	vadd.s32 v15, v25  }
0x192: {  	v19 =	vadd.s32 v19, v25;
	v12 =	vnsel vm0, $0xF4200, v23;
	v15 =	vor.u32 v27, v15  }
0x193: {  	s20 =	sand.u32 $0x70, s22;
	s22 =	sand.u32 $0x600, s19;
	v17 =	vadd.s32 v17, v25;
	v19 =	vor.u32 v27, v19;
	v28 =	vadd.s32 $0xFFF0BE00, v12  }
0x194: {  	s20 =	sor.u32 s20, s22;
	v22 =	vadd.s32 v22, v25;
	v20 =	vadd.s32 v20, v25;
	v17 =	vor.u32 v27, v17  }
0x195: {  	v26 =	vadd.s32 v26, v25;
	v22 =	vor.u32 v27, v22;
	v20 =	vor.u32 v27, v20  }
0x196: {  	v18 =	vadd.s32 v18, v25;
	v14 =	vadd.s32 v14, v25;
	v26 =	vor.u32 v27, v26  }
0x197: {  	v18 =	vor.u32 v27, v18;
	v29 =	vor.u32 v27, v14;
	v14 =	vadd.s32 v16, v25;
	v15 =	vld.idx.msk [tilespmem:v15+s14+$0x0], $0xffff  }
0x198: {  	v13 =	vadd.s32 v13, v25;
	v16 =	vld.idx.msk [tilespmem:v28+s11+$0x0], $0xffff;
	v28 =	vor.u32 v27, v14;
	v14 =	vadd.s32 v21, v25  }
0x199: {  	v21 =	vor.u32 v27, v14;
	v14 =	vor.u32 v27, v13;
	v13 =	vadd.s32 v24, v25  }
0x19a: {  	v13 =	vor.u32 v27, v13;
	_ =	sdelay $0x1  }
0x19b: {  	v24 =	vadd.s32 $0xFFF0BE40, v12  }
0x19c: {  	s22 =	sadd.s32 $0x19C00, s20;
	vm0 =	vgt.s32 v23, $0xF41FF  }
0x19d: {  	v15 =	vsel vm0, v16, v15  }
0x19e: {  	[tilespmem:s20+$0x19C00] =	vst v15  }
0x19f: {  	v15 =	vld.idx.msk [tilespmem:v19+s14+$0x0], $0xffff  }
0x1a0: {  	v16 =	vld.idx.msk [tilespmem:v24+s11+$0x0], $0xffff;
	_ =	sdelay $0x3  }
0x1a1: {  	v19 =	vadd.s32 $0xFFF0BE80, v12;
	_ =	sdelay $0x1  }
0x1a2: {  	v15 =	vsel vm0, v16, v15  }
0x1a3: {  	[tilespmem:s22+$0x80] =	vst v15  }
0x1a4: {  	v15 =	vld.idx.msk [tilespmem:v17+s14+$0x0], $0xffff  }
0x1a5: {  	v16 =	vld.idx.msk [tilespmem:v19+s11+$0x0], $0xffff;
	_ =	sdelay $0x3  }
0x1a6: {  	v17 =	vadd.s32 $0xFFF0BEC0, v12;
	_ =	sdelay $0x1  }
0x1a7: {  	v15 =	vsel vm0, v16, v15  }
0x1a8: {  	[tilespmem:s22+$0x100] =	vst v15  }
0x1a9: {  	v15 =	vld.idx.msk [tilespmem:v22+s14+$0x0], $0xffff  }
0x1aa: {  	v16 =	vld.idx.msk [tilespmem:v17+s11+$0x0], $0xffff;
	_ =	sdelay $0x3  }
0x1ab: {  	v17 =	vadd.s32 $0xFFF0BF00, v12;
	_ =	sdelay $0x1  }
0x1ac: {  	v15 =	vsel vm0, v16, v15  }
0x1ad: {  	[tilespmem:s22+$0x180] =	vst v15  }
0x1ae: {  	v15 =	vld.idx.msk [tilespmem:v20+s14+$0x0], $0xffff  }
0x1af: {  	v16 =	vld.idx.msk [tilespmem:v17+s11+$0x0], $0xffff;
	_ =	sdelay $0x3  }
0x1b0: {  	v17 =	vadd.s32 $0xFFF0BF40, v12;
	_ =	sdelay $0x1  }
0x1b1: {  	v15 =	vsel vm0, v16, v15  }
0x1b2: {  	[tilespmem:s20+$0x1A400] =	vst v15  }
0x1b3: {  	v15 =	vld.idx.msk [tilespmem:v26+s14+$0x0], $0xffff  }
0x1b4: {  	v16 =	vld.idx.msk [tilespmem:v17+s11+$0x0], $0xffff;
	_ =	sdelay $0x3  }
0x1b5: {  	v17 =	vadd.s32 $0xFFF0BF80, v12;
	_ =	sdelay $0x1  }
0x1b6: {  	v15 =	vsel vm0, v16, v15  }
0x1b7: {  	[tilespmem:s20+$0x1A480] =	vst v15  }
0x1b8: {  	v15 =	vld.idx.msk [tilespmem:v18+s14+$0x0], $0xffff  }
0x1b9: {  	v16 =	vld.idx.msk [tilespmem:v17+s11+$0x0], $0xffff;
	_ =	sdelay $0x3  }
0x1ba: {  	v17 =	vadd.s32 $0xFFF0BFC0, v12;
	_ =	sdelay $0x1  }
0x1bb: {  	v15 =	vsel vm0, v16, v15  }
0x1bc: {  	[tilespmem:s20+$0x1A500] =	vst v15  }
0x1bd: {  	v15 =	vld.idx.msk [tilespmem:v29+s14+$0x0], $0xffff  }
0x1be: {  	v16 =	vld.idx.msk [tilespmem:v17+s11+$0x0], $0xffff;
	_ =	sdelay $0x3  }
0x1bf: {  	v17 =	vadd.s32 $0xFFF0C000, v12;
	_ =	sdelay $0x1  }
0x1c0: {  	v15 =	vsel vm0, v16, v15  }
0x1c1: {  	[tilespmem:s20+$0x1A580] =	vst v15  }
0x1c2: {  	v15 =	vld.idx.msk [tilespmem:v28+s14+$0x0], $0xffff  }
0x1c3: {  	v17 =	vld.idx.msk [tilespmem:v17+s11+$0x0], $0xffff;
	_ =	sdelay $0x3  }
.Ltmp1:
0x1c4: {  	v16 =	vadd.s32 $0xFFF0C040, v12;
	(pc) =	sbr.rel @p0 .LBB2_4-.Ltmp1, $4  }
0x1c5: {  	_ = 	snop  }
0x1c6: {  	v15 =	vsel vm0, v17, v15  }
0x1c7: {  	[tilespmem:s20+$0x1AC00] =	vst v15  }
0x1c8: {  	v15 =	vld.idx.msk [tilespmem:v21+s14+$0x0], $0xffff  }
0x1c9: {  	_ =	sdelay $0x3  }
0x1ca: {  	v16 =	vld.idx.msk [tilespmem:v16+s11+$0x0], $0xffff;
	_ =	sdelay $0x2  }
0x1cb: {  	v17 =	vadd.s32 $0xFFF0C080, v12;
	_ =	sdelay $0x1  }
0x1cc: {  	v15 =	vsel vm0, v16, v15  }
0x1cd: {  	[tilespmem:s20+$0x1AC80] =	vst v15  }
0x1ce: {  	v14 =	vld.idx.msk [tilespmem:v14+s14+$0x0], $0xffff  }
0x1cf: {  	v15 =	vld.idx.msk [tilespmem:v17+s11+$0x0], $0xffff;
	_ =	sdelay $0x2  }
0x1d0: {  	v63 =	vadd.s32 $0xFFF0C0C0, v12;
	_ =	sdelay $0x1  }
0x1d1: {  	v14 =	vsel vm0, v15, v14  }
0x1d2: {  	[tilespmem:s20+$0x1AD00] =	vst v14  }
0x1d3: {  	v13 =	vld.idx.msk [tilespmem:v13+s14+$0x0], $0xffff  }
0x1d4: {  	v12 =	vld.idx.msk [tilespmem:v63+s11+$0x0], $0xffff;
	_ =	sdelay $0x4  }
0x1d5: {  	v12 =	vsel vm0, v12, v13  }
0x1d6: {  	[tilespmem:s20+$0x1AD80] =	vst v12  }
0x1d7: {  	[hbm4b:s5+s2] =	stream.linear.scatter [tilespmem:s15], [sflag:$0x2], $0x800, $0x38;
	[tilespmem:$0x1B700] =	vst v63  }
0x1d8: {  	_ =	swait.ge [sflag:s10], $0x800  }
0x1d9: {  	[sflag:s10] =	ssyncset.done $0x0  }
0x1da: {  	[sflag:s10] =	ssyncadd.s32 $0xFFFFF800  }
0x1db: {  	[hbm4b:s7+s2] =	stream.linear.scatter [tilespmem:s16], [sflag:$0x2], $0x800, $0x38;
	[tilespmem:$0x1B700] =	vst v63  }
0x1dc: {  	s18 =	sadd.s32 $0x1, s18;
	_ =	swait.ge [sflag:s10], $0x800  }
0x1dd: {  	p0 =	sne.s32 s18, s9;
	[sflag:s10] =	ssyncset.done $0x0  }
.Ltmp2:
0x1de: {  	[sflag:s10] =	ssyncadd.s32 $0xFFFFF800;
	(pc) =	sbr.rel @p0 .LBB2_1-.Ltmp2, $4  }
0x1df: {  	[hbm4b:s8+s2] =	stream.linear.scatter [tilespmem:s17], [sflag:$0x2], $0x800, $0x38;
	[tilespmem:$0x1B700] =	vst v63  }
0x1e0: {  	_ =	swait.ge [sflag:s10], $0x800  }
0x1e1: {  	[sflag:s10] =	ssyncset.done $0x0  }
0x1e2: {  	[sflag:s10] =	ssyncadd.s32 $0xFFFFF800  }
0x1e3: {  	_ =	sfence.sel $0x180000  }
0x1e4: {  	[bflag:$0x0] =	sbarrier.arrive $0xFFFF  }
0x1e5: {  	_ =	strace $0x90000047  }
0x1e6: {  	s0 =	stileid.u32;
	[bflag:$0x2] =	sbarrier.arrive $0xFFFF  }
0x1e7: {  	p0 =	sne.s32 s0, $0x0;
	s0 =	rddreg [dreg:$0x2]  }
0x1e8: {  	s0 =	sadd.s32 @!p0 $0x100000, s0  }
0x1e9: {  	[sflag:s0] =	ssyncadd.tile.s32 @!p0 $0x1;
	_ =	shalt  }
.Lfunc_end2:
_tile_overlayer_lowered:
.L_overlay_start_2:
0x1ea: {  	(tag) =	ssettag $0x2  }
0x1eb: {  	s0 =	rddreg [dreg:$0x0];
	s2 =	stileid.u32  }
0x1ec: {  	s1 =	rddreg [dreg:$0x1];
	p0 =	sne.s32 s2, $0x0  }
0x1ed: {  	s3 =	rddreg [dreg:$0x2];
	[bflag:$0x3] =	sbarrier.arrive $0xFFFF;
	s2 =	simm.s32 @!p0 $0x1C02  }
0x1ee: {  	[timem:s3], [sflag:s2] =	dma.local @!p0 [hbm:s0], s1  }
0x1ef: {  	s0 =	simm.s32 @!p0 $0x2  }
0x1f0: {  	_ =	swait.ge @!p0 [sflag:s0], s1  }
0x1f1: {  	s1 =	ssub.s32 @!p0 $0x0, s1;
	[sflag:s0] =	ssyncset.done @!p0 $0x0  }
0x1f2: {  	[sflag:s0] =	ssyncadd.s32 @!p0 s1  }
0x1f3: {  	[bflag:$0x3] =	sbarrier.arrive $0xFFFF  }
0x1f4: {  	_ =	shalt  }

</sc_bundles>
